<compile_context>
chip_gen: v7x
topology: tpu7x:2x2x1
jax: 0.10.2.dev20260603
libtpu: 0.0.44.dev20260713+nightly
codegen_flags: <defaults>
</compile_context>

<pallas_src>
import functools

import jax
import jax.numpy as jnp
from jax import lax
from jax.experimental import pallas as pl
from jax.experimental.pallas import tpu as pltpu
from jax.experimental.pallas import tpu_sc as plsc

N_NODES = 10000
N_PAD = 10240
E_EDGES = 160000
E_PAD = 163840
NC, NS, L = 2, 16, 16
CHUNK = 128
ROWS_PER_TILE = N_PAD // NS
F_HALF = 128
NBUF = 4
WCHUNK = 64

_mesh = plsc.VectorSubcoreMesh(core_axis_name="c", subcore_axis_name="s")


def _pipelined(nchunk, bufs, gsems, ssems, mk_gather, mk_scatter):
    nbuf = len(bufs)
    for b in range(nbuf):
        mk_gather(b, bufs[b], gsems[b]).start()

    def group(g, carry):
        base = g * nbuf
        for b in range(nbuf):
            i = base + b
            mk_gather(i, bufs[b], gsems[b]).wait()
            mk_scatter(i, bufs[b], ssems[b]).start(add=True)
        for b in range(nbuf):
            i = base + b
            mk_scatter(i, bufs[b], ssems[b]).wait()

            @pl.when(i + nbuf < nchunk)
            def _(b=b, i=i):
                mk_gather(i + nbuf, bufs[b], gsems[b]).start()
        return carry

    lax.fori_loop(0, nchunk // nbuf, group, 0)


@functools.partial(
    pl.kernel,
    out_type=jax.ShapeDtypeStruct((NC, N_PAD), jnp.float32),
    mesh=_mesh,
    scratch_types=[
        pltpu.VMEM((E_PAD // (NC * NS) // CHUNK, CHUNK), jnp.int32),
        pltpu.VMEM((CHUNK,), jnp.float32),
        pltpu.SemaphoreType.DMA,
        pltpu.VMEM_SHARED((N_PAD,), jnp.float32),
    ],
)
def _deg_hist(dst2d_hbm, zeros_hbm, out_hbm, idx_d, ones_v, sem, acc_sp):
    cid = lax.axis_index("c")
    sid = lax.axis_index("s")
    wid = sid * NC + cid
    nchunk = E_PAD // (NC * NS) // CHUNK

    pltpu.sync_copy(zeros_hbm, acc_sp.at[pl.ds(sid * ROWS_PER_TILE, ROWS_PER_TILE)])
    pltpu.sync_copy(dst2d_hbm.at[pl.ds(wid * nchunk, nchunk)], idx_d)
    for j in range(CHUNK // L):
        ones_v[pl.ds(j * L, L)] = jnp.ones((L,), jnp.float32)
    plsc.subcore_barrier()

    def group(g, carry):
        for b in range(8):
            pltpu.async_copy(ones_v, acc_sp.at[idx_d.at[g * 8 + b]], sem, add=True)
        for b in range(8):
            pltpu.make_async_copy(ones_v, acc_sp.at[idx_d.at[0]], sem).wait()
        return carry

    lax.fori_loop(0, nchunk // 8, group, 0)
    plsc.subcore_barrier()
    pltpu.sync_copy(acc_sp.at[pl.ds(sid * ROWS_PER_TILE, ROWS_PER_TILE)],
                    out_hbm.at[cid, pl.ds(sid * ROWS_PER_TILE, ROWS_PER_TILE)])


@functools.partial(
    pl.kernel,
    out_type=jax.ShapeDtypeStruct((NC, N_PAD), jnp.float32),
    mesh=_mesh,
    scratch_types=[
        pltpu.VMEM((E_PAD // (NC * NS) // CHUNK, CHUNK), jnp.int32),
        pltpu.VMEM((E_PAD // (NC * NS) // CHUNK, CHUNK), jnp.int32),
        [pltpu.VMEM((CHUNK,), jnp.float32)] * NBUF,
        [pltpu.SemaphoreType.DMA] * NBUF,
        [pltpu.SemaphoreType.DMA] * NBUF,
        pltpu.VMEM_SHARED((N_PAD,), jnp.float32),
        pltpu.VMEM_SHARED((N_NODES,), jnp.float32),
    ],
)
def _scalar_scatter(val_hbm, src2d_hbm, dst2d_hbm, zeros_hbm, out_hbm,
                    idx_s, idx_d, bufs, gsems, ssems, acc_sp, val_sp):
    cid = lax.axis_index("c")
    sid = lax.axis_index("s")
    wid = sid * NC + cid
    nchunk = E_PAD // (NC * NS) // CHUNK

    pltpu.sync_copy(zeros_hbm, acc_sp.at[pl.ds(sid * ROWS_PER_TILE, ROWS_PER_TILE)])
    pltpu.sync_copy(src2d_hbm.at[pl.ds(wid * nchunk, nchunk)], idx_s)
    pltpu.sync_copy(dst2d_hbm.at[pl.ds(wid * nchunk, nchunk)], idx_d)

    @pl.when(sid == 0)
    def _():
        pltpu.sync_copy(val_hbm, val_sp)
    plsc.subcore_barrier()

    def mk_gather(i, buf, sem):
        return pltpu.make_async_copy(val_sp.at[idx_s.at[i]], buf, sem)

    def mk_scatter(i, buf, sem):
        return pltpu.make_async_copy(buf, acc_sp.at[idx_d.at[i]], sem)

    _pipelined(nchunk, bufs, gsems, ssems, mk_gather, mk_scatter)
    plsc.subcore_barrier()
    pltpu.sync_copy(acc_sp.at[pl.ds(sid * ROWS_PER_TILE, ROWS_PER_TILE)],
                    out_hbm.at[cid, pl.ds(sid * ROWS_PER_TILE, ROWS_PER_TILE)])


@functools.partial(
    pl.kernel,
    out_type=jax.ShapeDtypeStruct((NC, N_PAD, F_HALF), jnp.float32),
    mesh=_mesh,
    scratch_types=[
        pltpu.VMEM((16, WCHUNK), jnp.int32),
        pltpu.VMEM((16, WCHUNK), jnp.int32),
        [pltpu.VMEM((WCHUNK, F_HALF), jnp.float32)] * NBUF,
        [pltpu.SemaphoreType.DMA] * NBUF,
        [pltpu.SemaphoreType.DMA] * NBUF,
        pltpu.VMEM_SHARED((N_PAD, F_HALF), jnp.float32),
    ],
)
def _wide_scatter(gt_hbm, srcA2d_hbm, srcB2d_hbm, dst2d_hbm, zrows_hbm, out_hbm,
                  idx_s, idx_d, bufs, gsems, ssems, acc_sp):
    cid = lax.axis_index("c")
    sid = lax.axis_index("s")
    nchunk = E_PAD // NS // WCHUNK
    nseg, seg = nchunk // 16, 16

    pltpu.sync_copy(zrows_hbm, acc_sp.at[pl.ds(sid * ROWS_PER_TILE, ROWS_PER_TILE)])
    plsc.subcore_barrier()

    def mk_gather(i, buf, sem):
        return pltpu.make_async_copy(gt_hbm.at[idx_s.at[i]], buf, sem)

    def mk_scatter(i, buf, sem):
        return pltpu.make_async_copy(buf, acc_sp.at[idx_d.at[i]], sem)

    def seg_body(s, carry):
        base = sid * nchunk + s * seg

        @pl.when(cid == 0)
        def _():
            pltpu.sync_copy(srcA2d_hbm.at[pl.ds(base, seg)], idx_s)

        @pl.when(cid == 1)
        def _():
            pltpu.sync_copy(srcB2d_hbm.at[pl.ds(base, seg)], idx_s)

        pltpu.sync_copy(dst2d_hbm.at[pl.ds(base, seg)], idx_d)
        _pipelined(seg, bufs, gsems, ssems, mk_gather, mk_scatter)
        return carry

    lax.fori_loop(0, nseg, seg_body, 0)
    plsc.subcore_barrier()
    pltpu.sync_copy(acc_sp.at[pl.ds(sid * ROWS_PER_TILE, ROWS_PER_TILE)],
                    out_hbm.at[cid, pl.ds(sid * ROWS_PER_TILE, ROWS_PER_TILE)])


_BLK_M = 1000


def _dense_body(a_ref, g_ref, dinv_ref, w1_ref, b1_ref, w2_ref, t_ref):
    dinv = dinv_ref[...]
    z0 = dinv * (a_ref[0] + g_ref[:, :F_HALF])
    z1 = dinv * (a_ref[1] + g_ref[:, F_HALF:])
    w1 = w1_ref[...].astype(jnp.bfloat16)
    h = (jnp.dot(z0.astype(jnp.bfloat16), w1[:F_HALF, :],
                 preferred_element_type=jnp.float32)
         + jnp.dot(z1.astype(jnp.bfloat16), w1[F_HALF:, :],
                   preferred_element_type=jnp.float32))
    h = jnp.maximum(h + b1_ref[...], 0.0)
    s = jnp.sum(h * w2_ref[...], axis=1, keepdims=True)
    t_ref[...] = dinv * s


def _dense_stage(acc_halves, g, dinv_col, w1, b1_row, w2_row):
    grid = (N_NODES // _BLK_M,)
    return pl.pallas_call(
        _dense_body,
        grid=grid,
        in_specs=[
            pl.BlockSpec((2, _BLK_M, F_HALF), lambda i: (0, i, 0)),
            pl.BlockSpec((_BLK_M, 256), lambda i: (i, 0)),
            pl.BlockSpec((_BLK_M, 1), lambda i: (i, 0)),
            pl.BlockSpec((256, 512), lambda i: (0, 0)),
            pl.BlockSpec((1, 512), lambda i: (0, 0)),
            pl.BlockSpec((1, 512), lambda i: (0, 0)),
        ],
        out_specs=pl.BlockSpec((_BLK_M, 1), lambda i: (i, 0)),
        out_shape=jax.ShapeDtypeStruct((N_NODES, 1), jnp.float32),
    )(acc_halves, g, dinv_col, w1, b1_row, w2_row)


def kernel(x, edge_index, W1, b1, W2, b2):
    ei = edge_index.astype(jnp.int32)
    npad_e = E_PAD - E_EDGES
    pad_dst = N_NODES + (jnp.arange(npad_e, dtype=jnp.int32) % (N_PAD - N_NODES))
    pad_src = jnp.arange(npad_e, dtype=jnp.int32) % 256
    src = jnp.concatenate([ei[0], pad_src])
    dst = jnp.concatenate([ei[1], pad_dst])
    dst2d = dst.reshape(E_PAD // CHUNK, CHUNK)
    src2d = src.reshape(E_PAD // CHUNK, CHUNK)
    srcA2d = src2d * 2
    srcB2d = src2d * 2 + 1

    zeros1 = jnp.zeros((ROWS_PER_TILE,), jnp.float32)
    zrows = jnp.zeros((ROWS_PER_TILE, F_HALF), jnp.float32)

    deg_part = _deg_hist(dst2d, zeros1)
    deg = deg_part[0, :N_NODES] + deg_part[1, :N_NODES] + 1.0
    dinv = jax.lax.rsqrt(deg)

    g = dinv[:, None] * x
    gt = g.reshape(2 * N_NODES, F_HALF)

    acc_halves = _wide_scatter(gt, srcA2d.reshape(E_PAD // WCHUNK, WCHUNK),
                               srcB2d.reshape(E_PAD // WCHUNK, WCHUNK),
                               dst2d.reshape(E_PAD // WCHUNK, WCHUNK), zrows)

    t = g[:, 0]

    acc2_part = _scalar_scatter(t, src2d, dst2d, zeros1)
    acc2 = acc2_part[0, :N_NODES] + acc2_part[1, :N_NODES]

    return dinv * (acc2 + t) + b2[0]

# --- scband reference (transcript-rebuilt; emitter-appended) ---
"""Pipeline reference for scband-gnnmodel-59657095741839 (READ-ONLY COPY).

The authoritative reference and input builder live on the scoring server;
editing this copy changes nothing except your own understanding.
"""

import jax, jax.numpy as jnp
import numpy as np

N_NODES = 10000


def gcn_conv(x, edge_index, W, b):
    num_nodes = x.shape[0]
    src = edge_index[0]
    dst = edge_index[1]
    # add self loops (GCNConv default)
    loop = jnp.arange(num_nodes, dtype=src.dtype)
    src = jnp.concatenate([src, loop])
    dst = jnp.concatenate([dst, loop])
    # linear transform first
    h = x @ W
    # symmetric normalization: deg computed on dst with unit edge weights
    deg = jnp.zeros((num_nodes,), dtype=h.dtype).at[dst].add(1.0)
    deg_inv_sqrt = jnp.where(deg > 0, 1.0 / jnp.sqrt(deg), 0.0)
    norm = deg_inv_sqrt[src] * deg_inv_sqrt[dst]
    msgs = h[src] * norm[:, None]
    out = jnp.zeros_like(h).at[dst].add(msgs)
    return out + b


def setup_inputs(seed: int = 0) -> dict:
    key = jax.random.key(seed)
    k1, k2, k3, k4, k5 = jax.random.split(key, 5)
    x = jax.random.normal(k1, (N_NODES, 256), dtype=jnp.float32)
    edge_index = jax.random.randint(k2, (2, 160000), 0, N_NODES, dtype=jnp.int64)
    # glorot-style init for GCNConv weights
    W1 = jax.random.normal(k3, (256, 512), dtype=jnp.float32) * (1.0 / np.sqrt(256.0))
    b1 = jnp.zeros((512,), dtype=jnp.float32)
    W2 = jax.random.normal(k4, (512, 1), dtype=jnp.float32) * (1.0 / np.sqrt(512.0))
    b2 = jnp.zeros((1,), dtype=jnp.float32)
    return {"x": x, "edge_index": edge_index, "W1": W1, "b1": b1, "W2": W2, "b2": b2}


def reference(x, edge_index, W1, b1, W2, b2):
    h = gcn_conv(x, edge_index, W1, b1)
    h = jax.nn.relu(h)
    # dropout p=0.0 -> identity
    out = gcn_conv(h, edge_index, W2, b2)
    return out.squeeze(-1)

if __name__ == "__main__":
    import jax
    _d = setup_inputs()
    print(jax.jit(kernel)(*tuple(_d.values())))

</pallas_src>

<mosaic_0001>
#map = affine_map<(d0, d1) -> (0, 0)>
#map1 = affine_map<(d0, d1) -> (0)>
module attributes {stable_mosaic.version = 14 : i64} {
  func.func @_deg_hist(%arg0: i32, %arg1: i32, %arg2: memref<1280x128xi32, #tpu.memory_space<hbm>>, %arg3: memref<640xf32, #tpu.memory_space<hbm>>, %arg4: memref<2x10240xf32, #tpu.memory_space<hbm>>, %arg5: memref<40x128xi32, #tpu.memory_space<vmem>>, %arg6: memref<128xf32, #tpu.memory_space<vmem>>, %arg7: memref<!tpu.dma_semaphore, #tpu.memory_space<semaphore_mem>>, %arg8: memref<10240xf32, #tpu.memory_space<vmem_shared>>) attributes {dimension_semantics = [#tpu.dimension_semantics<core_parallel>, #tpu.dimension_semantics<subcore_parallel>], iteration_bounds = array<i64: 2, 16>, scalar_prefetch = 0 : i64, scratch_operands = 4 : i64, tpu.core_type = #tpu.core_type<sc_vector_subcore>, window_params = [{transform_indices = #map}, {transform_indices = #map1}, {transform_indices = #map}]} {
    %mul3A = arith.constant 2 : i32
    %mul3A_0 = arith.muli %arg1, %mul3A : i32
    %add3A = arith.addi %mul3A_0, %arg0 : i32
    %mul3A_1 = arith.constant 640 : i32
    %mul3A_2 = arith.muli %arg1, %mul3A_1 : i32
    "tpu.region"() ({
      %run_scoped3A = tpu.sem_alloc : memref<!tpu.dma_semaphore, #tpu.memory_space<semaphore_mem>>
      %dma_start3A = tpu.memref_slice %arg8[%mul3A_2] : memref<10240xf32, #tpu.memory_space<vmem_shared>> -> memref<640xf32, #tpu.memory_space<vmem_shared>>
      tpu.enqueue_dma source(%arg3 : memref<640xf32, #tpu.memory_space<hbm>>) target(%dma_start3A : memref<640xf32, #tpu.memory_space<vmem_shared>>) target_semaphore(%run_scoped3A : memref<!tpu.dma_semaphore, #tpu.memory_space<semaphore_mem>>)
      %dma_wait3A = tpu.memref_slice %arg8[%mul3A_2] : memref<10240xf32, #tpu.memory_space<vmem_shared>> -> memref<640xf32, #tpu.memory_space<vmem_shared>>
      tpu.wait_dma2 semaphore(%run_scoped3A : memref<!tpu.dma_semaphore, #tpu.memory_space<semaphore_mem>>) src(%arg3 : memref<640xf32, #tpu.memory_space<hbm>>) dst(%dma_wait3A : memref<640xf32, #tpu.memory_space<vmem_shared>>)
      tpu.yield
    }) : () -> ()
    %mul3A_3 = arith.constant 40 : i32
    %mul3A_4 = arith.muli %add3A, %mul3A_3 : i32
    "tpu.region"() ({
      %run_scoped3A = tpu.sem_alloc : memref<!tpu.dma_semaphore, #tpu.memory_space<semaphore_mem>>
      %dma_start3A = arith.constant 0 : i32
      %dma_start3A_61 = tpu.memref_slice %arg2[%mul3A_4, %dma_start3A] : memref<1280x128xi32, #tpu.memory_space<hbm>> -> memref<40x128xi32, #tpu.memory_space<hbm>>
      %dma_start3A_62 = arith.constant 0 : i32
      %dma_start3A_63 = tpu.memref_slice %arg2[%mul3A_4, %dma_start3A_62] : memref<1280x128xi32, #tpu.memory_space<hbm>> -> memref<40x128xi32, #tpu.memory_space<hbm>>
      tpu.enqueue_dma source(%dma_start3A_63 : memref<40x128xi32, #tpu.memory_space<hbm>>) target(%arg5 : memref<40x128xi32, #tpu.memory_space<vmem>>) target_semaphore(%run_scoped3A : memref<!tpu.dma_semaphore, #tpu.memory_space<semaphore_mem>>)
      %dma_wait3A = arith.constant 0 : i32
      %dma_wait3A_64 = tpu.memref_slice %arg2[%mul3A_4, %dma_wait3A] : memref<1280x128xi32, #tpu.memory_space<hbm>> -> memref<40x128xi32, #tpu.memory_space<hbm>>
      %dma_wait3A_65 = arith.constant 0 : i32
      %dma_wait3A_66 = tpu.memref_slice %arg2[%mul3A_4, %dma_wait3A_65] : memref<1280x128xi32, #tpu.memory_space<hbm>> -> memref<40x128xi32, #tpu.memory_space<hbm>>
      tpu.wait_dma2 semaphore(%run_scoped3A : memref<!tpu.dma_semaphore, #tpu.memory_space<semaphore_mem>>) src(%dma_wait3A_66 : memref<40x128xi32, #tpu.memory_space<hbm>>) dst(%arg5 : memref<40x128xi32, #tpu.memory_space<vmem>>)
      tpu.yield
    }) : () -> ()
    %broadcast_in_dim3A = arith.constant 1.000000e+00 : f32
    %broadcast_in_dim3A_5 = vector.broadcast %broadcast_in_dim3A : f32 to vector<16xf32>
    %swap3A = arith.constant 0 : index
    %swap3A_6 = tpu.vector_load %arg6[%swap3A] {strides = array<i32>} : memref<128xf32, #tpu.memory_space<vmem>>, vector<16xf32>,
    %swap3A_7 = vector.shape_cast %swap3A_6 : vector<16xf32> to vector<16xf32>
    %swap3A_8 = vector.shape_cast %broadcast_in_dim3A_5 : vector<16xf32> to vector<16xf32>
    tpu.vector_store %arg6[%swap3A], %swap3A_8 {strides = array<i32>} : memref<128xf32, #tpu.memory_space<vmem>>, vector<16xf32>,
    %broadcast_in_dim3A_9 = arith.constant 1.000000e+00 : f32
    %broadcast_in_dim3A_10 = vector.broadcast %broadcast_in_dim3A_9 : f32 to vector<16xf32>
    %swap3A_11 = arith.constant 16 : index
    %swap3A_12 = tpu.vector_load %arg6[%swap3A_11] {strides = array<i32>} : memref<128xf32, #tpu.memory_space<vmem>>, vector<16xf32>,
    %swap3A_13 = vector.shape_cast %swap3A_12 : vector<16xf32> to vector<16xf32>
    %swap3A_14 = vector.shape_cast %broadcast_in_dim3A_10 : vector<16xf32> to vector<16xf32>
    tpu.vector_store %arg6[%swap3A_11], %swap3A_14 {strides = array<i32>} : memref<128xf32, #tpu.memory_space<vmem>>, vector<16xf32>,
    %broadcast_in_dim3A_15 = arith.constant 1.000000e+00 : f32
    %broadcast_in_dim3A_16 = vector.broadcast %broadcast_in_dim3A_15 : f32 to vector<16xf32>
    %swap3A_17 = arith.constant 32 : index
    %swap3A_18 = tpu.vector_load %arg6[%swap3A_17] {strides = array<i32>} : memref<128xf32, #tpu.memory_space<vmem>>, vector<16xf32>,
    %swap3A_19 = vector.shape_cast %swap3A_18 : vector<16xf32> to vector<16xf32>
    %swap3A_20 = vector.shape_cast %broadcast_in_dim3A_16 : vector<16xf32> to vector<16xf32>
    tpu.vector_store %arg6[%swap3A_17], %swap3A_20 {strides = array<i32>} : memref<128xf32, #tpu.memory_space<vmem>>, vector<16xf32>,
    %broadcast_in_dim3A_21 = arith.constant 1.000000e+00 : f32
    %broadcast_in_dim3A_22 = vector.broadcast %broadcast_in_dim3A_21 : f32 to vector<16xf32>
    %swap3A_23 = arith.constant 48 : index
    %swap3A_24 = tpu.vector_load %arg6[%swap3A_23] {strides = array<i32>} : memref<128xf32, #tpu.memory_space<vmem>>, vector<16xf32>,
    %swap3A_25 = vector.shape_cast %swap3A_24 : vector<16xf32> to vector<16xf32>
    %swap3A_26 = vector.shape_cast %broadcast_in_dim3A_22 : vector<16xf32> to vector<16xf32>
    tpu.vector_store %arg6[%swap3A_23], %swap3A_26 {strides = array<i32>} : memref<128xf32, #tpu.memory_space<vmem>>, vector<16xf32>,
    %broadcast_in_dim3A_27 = arith.constant 1.000000e+00 : f32
    %broadcast_in_dim3A_28 = vector.broadcast %broadcast_in_dim3A_27 : f32 to vector<16xf32>
    %swap3A_29 = arith.constant 64 : index
    %swap3A_30 = tpu.vector_load %arg6[%swap3A_29] {strides = array<i32>} : memref<128xf32, #tpu.memory_space<vmem>>, vector<16xf32>,
    %swap3A_31 = vector.shape_cast %swap3A_30 : vector<16xf32> to vector<16xf32>
    %swap3A_32 = vector.shape_cast %broadcast_in_dim3A_28 : vector<16xf32> to vector<16xf32>
    tpu.vector_store %arg6[%swap3A_29], %swap3A_32 {strides = array<i32>} : memref<128xf32, #tpu.memory_space<vmem>>, vector<16xf32>,
    %broadcast_in_dim3A_33 = arith.constant 1.000000e+00 : f32
    %broadcast_in_dim3A_34 = vector.broadcast %broadcast_in_dim3A_33 : f32 to vector<16xf32>
    %swap3A_35 = arith.constant 80 : index
    %swap3A_36 = tpu.vector_load %arg6[%swap3A_35] {strides = array<i32>} : memref<128xf32, #tpu.memory_space<vmem>>, vector<16xf32>,
    %swap3A_37 = vector.shape_cast %swap3A_36 : vector<16xf32> to vector<16xf32>
    %swap3A_38 = vector.shape_cast %broadcast_in_dim3A_34 : vector<16xf32> to vector<16xf32>
    tpu.vector_store %arg6[%swap3A_35], %swap3A_38 {strides = array<i32>} : memref<128xf32, #tpu.memory_space<vmem>>, vector<16xf32>,
    %broadcast_in_dim3A_39 = arith.constant 1.000000e+00 : f32
    %broadcast_in_dim3A_40 = vector.broadcast %broadcast_in_dim3A_39 : f32 to vector<16xf32>
    %swap3A_41 = arith.constant 96 : index
    %swap3A_42 = tpu.vector_load %arg6[%swap3A_41] {strides = array<i32>} : memref<128xf32, #tpu.memory_space<vmem>>, vector<16xf32>,
    %swap3A_43 = vector.shape_cast %swap3A_42 : vector<16xf32> to vector<16xf32>
    %swap3A_44 = vector.shape_cast %broadcast_in_dim3A_40 : vector<16xf32> to vector<16xf32>
    tpu.vector_store %arg6[%swap3A_41], %swap3A_44 {strides = array<i32>} : memref<128xf32, #tpu.memory_space<vmem>>, vector<16xf32>,
    %broadcast_in_dim3A_45 = arith.constant 1.000000e+00 : f32
    %broadcast_in_dim3A_46 = vector.broadcast %broadcast_in_dim3A_45 : f32 to vector<16xf32>
    %swap3A_47 = arith.constant 112 : index
    %swap3A_48 = tpu.vector_load %arg6[%swap3A_47] {strides = array<i32>} : memref<128xf32, #tpu.memory_space<vmem>>, vector<16xf32>,
    %swap3A_49 = vector.shape_cast %swap3A_48 : vector<16xf32> to vector<16xf32>
    %swap3A_50 = vector.shape_cast %broadcast_in_dim3A_46 : vector<16xf32> to vector<16xf32>
    tpu.vector_store %arg6[%swap3A_47], %swap3A_50 {strides = array<i32>} : memref<128xf32, #tpu.memory_space<vmem>>, vector<16xf32>,
    %barrier3A = arith.constant 0 : index
    tpu.barrier barrier_id(%barrier3A)
    %scan3A = arith.constant 0 : i32
    %scan3A_51 = arith.constant 0 : i32
    %scan3A_52 = arith.constant 5 : i32
    %scan3A_53 = arith.addi %scan3A_51, %scan3A_52 : i32
    %scan3A_54 = arith.constant 1 : i32
    scf.for %scan3A_61 = %scan3A_51 to %scan3A_53 step %scan3A_54  : i32 {
      %mul3A_62 = arith.constant 8 : i32
      %mul3A_63 = arith.muli %scan3A_61, %mul3A_62 : i32
      %add3A_64 = arith.constant 0 : i32
      %add3A_65 = arith.addi %mul3A_63, %add3A_64 : i32
      %dma_start3A = arith.constant 0 : i32
      %dma_start3A_66 = tpu.memref_slice %arg5[%add3A_65, %dma_start3A] : memref<40x128xi32, #tpu.memory_space<vmem>> -> memref<1x128xi32, #tpu.memory_space<vmem>>
      %dma_start3A_67 = tpu.memref_squeeze %dma_start3A_66 : memref<1x128xi32, #tpu.memory_space<vmem>> -> memref<128xi32, #tpu.memory_space<vmem>>
      %dma_start3A_68 = arith.constant 0 : i32
      %dma_start3A_69 = tpu.memref_slice %arg8[%dma_start3A_68] : memref<10240xf32, #tpu.memory_space<vmem_shared>> -> memref<10240xf32, #tpu.memory_space<vmem_shared>>
      tpu.enqueue_indirect_dma source(%arg6 : memref<128xf32, #tpu.memory_space<vmem>>) target(%dma_start3A_69 : memref<10240xf32, #tpu.memory_space<vmem_shared>>) offsets(%dma_start3A_67 : memref<128xi32, #tpu.memory_space<vmem>>) semaphore(%arg7 : memref<!tpu.dma_semaphore, #tpu.memory_space<semaphore_mem>>) {add = true}
      %mul3A_70 = arith.constant 8 : i32
      %mul3A_71 = arith.muli %scan3A_61, %mul3A_70 : i32
      %add3A_72 = arith.constant 1 : i32
      %add3A_73 = arith.addi %mul3A_71, %add3A_72 : i32
      %dma_start3A_74 = arith.constant 0 : i32
      %dma_start3A_75 = tpu.memref_slice %arg5[%add3A_73, %dma_start3A_74] : memref<40x128xi32, #tpu.memory_space<vmem>> -> memref<1x128xi32, #tpu.memory_space<vmem>>
      %dma_start3A_76 = tpu.memref_squeeze %dma_start3A_75 : memref<1x128xi32, #tpu.memory_space<vmem>> -> memref<128xi32, #tpu.memory_space<vmem>>
      %dma_start3A_77 = arith.constant 0 : i32
      %dma_start3A_78 = tpu.memref_slice %arg8[%dma_start3A_77] : memref<10240xf32, #tpu.memory_space<vmem_shared>> -> memref<10240xf32, #tpu.memory_space<vmem_shared>>
      tpu.enqueue_indirect_dma source(%arg6 : memref<128xf32, #tpu.memory_space<vmem>>) target(%dma_start3A_78 : memref<10240xf32, #tpu.memory_space<vmem_shared>>) offsets(%dma_start3A_76 : memref<128xi32, #tpu.memory_space<vmem>>) semaphore(%arg7 : memref<!tpu.dma_semaphore, #tpu.memory_space<semaphore_mem>>) {add = true}
      %mul3A_79 = arith.constant 8 : i32
      %mul3A_80 = arith.muli %scan3A_61, %mul3A_79 : i32
      %add3A_81 = arith.constant 2 : i32
      %add3A_82 = arith.addi %mul3A_80, %add3A_81 : i32
      %dma_start3A_83 = arith.constant 0 : i32
      %dma_start3A_84 = tpu.memref_slice %arg5[%add3A_82, %dma_start3A_83] : memref<40x128xi32, #tpu.memory_space<vmem>> -> memref<1x128xi32, #tpu.memory_space<vmem>>
      %dma_start3A_85 = tpu.memref_squeeze %dma_start3A_84 : memref<1x128xi32, #tpu.memory_space<vmem>> -> memref<128xi32, #tpu.memory_space<vmem>>
      %dma_start3A_86 = arith.constant 0 : i32
      %dma_start3A_87 = tpu.memref_slice %arg8[%dma_start3A_86] : memref<10240xf32, #tpu.memory_space<vmem_shared>> -> memref<10240xf32, #tpu.memory_space<vmem_shared>>
      tpu.enqueue_indirect_dma source(%arg6 : memref<128xf32, #tpu.memory_space<vmem>>) target(%dma_start3A_87 : memref<10240xf32, #tpu.memory_space<vmem_shared>>) offsets(%dma_start3A_85 : memref<128xi32, #tpu.memory_space<vmem>>) semaphore(%arg7 : memref<!tpu.dma_semaphore, #tpu.memory_space<semaphore_mem>>) {add = true}
      %mul3A_88 = arith.constant 8 : i32
      %mul3A_89 = arith.muli %scan3A_61, %mul3A_88 : i32
      %add3A_90 = arith.constant 3 : i32
      %add3A_91 = arith.addi %mul3A_89, %add3A_90 : i32
      %dma_start3A_92 = arith.constant 0 : i32
      %dma_start3A_93 = tpu.memref_slice %arg5[%add3A_91, %dma_start3A_92] : memref<40x128xi32, #tpu.memory_space<vmem>> -> memref<1x128xi32, #tpu.memory_space<vmem>>
      %dma_start3A_94 = tpu.memref_squeeze %dma_start3A_93 : memref<1x128xi32, #tpu.memory_space<vmem>> -> memref<128xi32, #tpu.memory_space<vmem>>
      %dma_start3A_95 = arith.constant 0 : i32
      %dma_start3A_96 = tpu.memref_slice %arg8[%dma_start3A_95] : memref<10240xf32, #tpu.memory_space<vmem_shared>> -> memref<10240xf32, #tpu.memory_space<vmem_shared>>
      tpu.enqueue_indirect_dma source(%arg6 : memref<128xf32, #tpu.memory_space<vmem>>) target(%dma_start3A_96 : memref<10240xf32, #tpu.memory_space<vmem_shared>>) offsets(%dma_start3A_94 : memref<128xi32, #tpu.memory_space<vmem>>) semaphore(%arg7 : memref<!tpu.dma_semaphore, #tpu.memory_space<semaphore_mem>>) {add = true}
      %mul3A_97 = arith.constant 8 : i32
      %mul3A_98 = arith.muli %scan3A_61, %mul3A_97 : i32
      %add3A_99 = arith.constant 4 : i32
      %add3A_100 = arith.addi %mul3A_98, %add3A_99 : i32
      %dma_start3A_101 = arith.constant 0 : i32
      %dma_start3A_102 = tpu.memref_slice %arg5[%add3A_100, %dma_start3A_101] : memref<40x128xi32, #tpu.memory_space<vmem>> -> memref<1x128xi32, #tpu.memory_space<vmem>>
      %dma_start3A_103 = tpu.memref_squeeze %dma_start3A_102 : memref<1x128xi32, #tpu.memory_space<vmem>> -> memref<128xi32, #tpu.memory_space<vmem>>
      %dma_start3A_104 = arith.constant 0 : i32
      %dma_start3A_105 = tpu.memref_slice %arg8[%dma_start3A_104] : memref<10240xf32, #tpu.memory_space<vmem_shared>> -> memref<10240xf32, #tpu.memory_space<vmem_shared>>
      tpu.enqueue_indirect_dma source(%arg6 : memref<128xf32, #tpu.memory_space<vmem>>) target(%dma_start3A_105 : memref<10240xf32, #tpu.memory_space<vmem_shared>>) offsets(%dma_start3A_103 : memref<128xi32, #tpu.memory_space<vmem>>) semaphore(%arg7 : memref<!tpu.dma_semaphore, #tpu.memory_space<semaphore_mem>>) {add = true}
      %mul3A_106 = arith.constant 8 : i32
      %mul3A_107 = arith.muli %scan3A_61, %mul3A_106 : i32
      %add3A_108 = arith.constant 5 : i32
      %add3A_109 = arith.addi %mul3A_107, %add3A_108 : i32
      %dma_start3A_110 = arith.constant 0 : i32
      %dma_start3A_111 = tpu.memref_slice %arg5[%add3A_109, %dma_start3A_110] : memref<40x128xi32, #tpu.memory_space<vmem>> -> memref<1x128xi32, #tpu.memory_space<vmem>>
      %dma_start3A_112 = tpu.memref_squeeze %dma_start3A_111 : memref<1x128xi32, #tpu.memory_space<vmem>> -> memref<128xi32, #tpu.memory_space<vmem>>
      %dma_start3A_113 = arith.constant 0 : i32
      %dma_start3A_114 = tpu.memref_slice %arg8[%dma_start3A_113] : memref<10240xf32, #tpu.memory_space<vmem_shared>> -> memref<10240xf32, #tpu.memory_space<vmem_shared>>
      tpu.enqueue_indirect_dma source(%arg6 : memref<128xf32, #tpu.memory_space<vmem>>) target(%dma_start3A_114 : memref<10240xf32, #tpu.memory_space<vmem_shared>>) offsets(%dma_start3A_112 : memref<128xi32, #tpu.memory_space<vmem>>) semaphore(%arg7 : memref<!tpu.dma_semaphore, #tpu.memory_space<semaphore_mem>>) {add = true}
      %mul3A_115 = arith.constant 8 : i32
      %mul3A_116 = arith.muli %scan3A_61, %mul3A_115 : i32
      %add3A_117 = arith.constant 6 : i32
      %add3A_118 = arith.addi %mul3A_116, %add3A_117 : i32
      %dma_start3A_119 = arith.constant 0 : i32
      %dma_start3A_120 = tpu.memref_slice %arg5[%add3A_118, %dma_start3A_119] : memref<40x128xi32, #tpu.memory_space<vmem>> -> memref<1x128xi32, #tpu.memory_space<vmem>>
      %dma_start3A_121 = tpu.memref_squeeze %dma_start3A_120 : memref<1x128xi32, #tpu.memory_space<vmem>> -> memref<128xi32, #tpu.memory_space<vmem>>
      %dma_start3A_122 = arith.constant 0 : i32
      %dma_start3A_123 = tpu.memref_slice %arg8[%dma_start3A_122] : memref<10240xf32, #tpu.memory_space<vmem_shared>> -> memref<10240xf32, #tpu.memory_space<vmem_shared>>
      tpu.enqueue_indirect_dma source(%arg6 : memref<128xf32, #tpu.memory_space<vmem>>) target(%dma_start3A_123 : memref<10240xf32, #tpu.memory_space<vmem_shared>>) offsets(%dma_start3A_121 : memref<128xi32, #tpu.memory_space<vmem>>) semaphore(%arg7 : memref<!tpu.dma_semaphore, #tpu.memory_space<semaphore_mem>>) {add = true}
      %mul3A_124 = arith.constant 8 : i32
      %mul3A_125 = arith.muli %scan3A_61, %mul3A_124 : i32
      %add3A_126 = arith.constant 7 : i32
      %add3A_127 = arith.addi %mul3A_125, %add3A_126 : i32
      %dma_start3A_128 = arith.constant 0 : i32
      %dma_start3A_129 = tpu.memref_slice %arg5[%add3A_127, %dma_start3A_128] : memref<40x128xi32, #tpu.memory_space<vmem>> -> memref<1x128xi32, #tpu.memory_space<vmem>>
      %dma_start3A_130 = tpu.memref_squeeze %dma_start3A_129 : memref<1x128xi32, #tpu.memory_space<vmem>> -> memref<128xi32, #tpu.memory_space<vmem>>
      %dma_start3A_131 = arith.constant 0 : i32
      %dma_start3A_132 = tpu.memref_slice %arg8[%dma_start3A_131] : memref<10240xf32, #tpu.memory_space<vmem_shared>> -> memref<10240xf32, #tpu.memory_space<vmem_shared>>
      tpu.enqueue_indirect_dma source(%arg6 : memref<128xf32, #tpu.memory_space<vmem>>) target(%dma_start3A_132 : memref<10240xf32, #tpu.memory_space<vmem_shared>>) offsets(%dma_start3A_130 : memref<128xi32, #tpu.memory_space<vmem>>) semaphore(%arg7 : memref<!tpu.dma_semaphore, #tpu.memory_space<semaphore_mem>>) {add = true}
      %dma_wait3A = arith.constant 0 : i32
      %dma_wait3A_133 = arith.constant 0 : i32
      %dma_wait3A_134 = tpu.memref_slice %arg5[%dma_wait3A, %dma_wait3A_133] : memref<40x128xi32, #tpu.memory_space<vmem>> -> memref<1x128xi32, #tpu.memory_space<vmem>>
      %dma_wait3A_135 = tpu.memref_squeeze %dma_wait3A_134 : memref<1x128xi32, #tpu.memory_space<vmem>> -> memref<128xi32, #tpu.memory_space<vmem>>
      %dma_wait3A_136 = arith.constant 0 : i32
      %dma_wait3A_137 = tpu.memref_slice %arg8[%dma_wait3A_136] : memref<10240xf32, #tpu.memory_space<vmem_shared>> -> memref<10240xf32, #tpu.memory_space<vmem_shared>>
      tpu.wait_indirect_dma semaphore(%arg7 : memref<!tpu.dma_semaphore, #tpu.memory_space<semaphore_mem>>) src(%arg6 : memref<128xf32, #tpu.memory_space<vmem>>) dst(%dma_wait3A_137 : memref<10240xf32, #tpu.memory_space<vmem_shared>>)
      %dma_wait3A_138 = arith.constant 0 : i32
      %dma_wait3A_139 = arith.constant 0 : i32
      %dma_wait3A_140 = tpu.memref_slice %arg5[%dma_wait3A_138, %dma_wait3A_139] : memref<40x128xi32, #tpu.memory_space<vmem>> -> memref<1x128xi32, #tpu.memory_space<vmem>>
      %dma_wait3A_141 = tpu.memref_squeeze %dma_wait3A_140 : memref<1x128xi32, #tpu.memory_space<vmem>> -> memref<128xi32, #tpu.memory_space<vmem>>
      %dma_wait3A_142 = arith.constant 0 : i32
      %dma_wait3A_143 = tpu.memref_slice %arg8[%dma_wait3A_142] : memref<10240xf32, #tpu.memory_space<vmem_shared>> -> memref<10240xf32, #tpu.memory_space<vmem_shared>>
      tpu.wait_indirect_dma semaphore(%arg7 : memref<!tpu.dma_semaphore, #tpu.memory_space<semaphore_mem>>) src(%arg6 : memref<128xf32, #tpu.memory_space<vmem>>) dst(%dma_wait3A_143 : memref<10240xf32, #tpu.memory_space<vmem_shared>>)
      %dma_wait3A_144 = arith.constant 0 : i32
      %dma_wait3A_145 = arith.constant 0 : i32
      %dma_wait3A_146 = tpu.memref_slice %arg5[%dma_wait3A_144, %dma_wait3A_145] : memref<40x128xi32, #tpu.memory_space<vmem>> -> memref<1x128xi32, #tpu.memory_space<vmem>>
      %dma_wait3A_147 = tpu.memref_squeeze %dma_wait3A_146 : memref<1x128xi32, #tpu.memory_space<vmem>> -> memref<128xi32, #tpu.memory_space<vmem>>
      %dma_wait3A_148 = arith.constant 0 : i32
      %dma_wait3A_149 = tpu.memref_slice %arg8[%dma_wait3A_148] : memref<10240xf32, #tpu.memory_space<vmem_shared>> -> memref<10240xf32, #tpu.memory_space<vmem_shared>>
      tpu.wait_indirect_dma semaphore(%arg7 : memref<!tpu.dma_semaphore, #tpu.memory_space<semaphore_mem>>) src(%arg6 : memref<128xf32, #tpu.memory_space<vmem>>) dst(%dma_wait3A_149 : memref<10240xf32, #tpu.memory_space<vmem_shared>>)
      %dma_wait3A_150 = arith.constant 0 : i32
      %dma_wait3A_151 = arith.constant 0 : i32
      %dma_wait3A_152 = tpu.memref_slice %arg5[%dma_wait3A_150, %dma_wait3A_151] : memref<40x128xi32, #tpu.memory_space<vmem>> -> memref<1x128xi32, #tpu.memory_space<vmem>>
      %dma_wait3A_153 = tpu.memref_squeeze %dma_wait3A_152 : memref<1x128xi32, #tpu.memory_space<vmem>> -> memref<128xi32, #tpu.memory_space<vmem>>
      %dma_wait3A_154 = arith.constant 0 : i32
      %dma_wait3A_155 = tpu.memref_slice %arg8[%dma_wait3A_154] : memref<10240xf32, #tpu.memory_space<vmem_shared>> -> memref<10240xf32, #tpu.memory_space<vmem_shared>>
      tpu.wait_indirect_dma semaphore(%arg7 : memref<!tpu.dma_semaphore, #tpu.memory_space<semaphore_mem>>) src(%arg6 : memref<128xf32, #tpu.memory_space<vmem>>) dst(%dma_wait3A_155 : memref<10240xf32, #tpu.memory_space<vmem_shared>>)
      %dma_wait3A_156 = arith.constant 0 : i32
      %dma_wait3A_157 = arith.constant 0 : i32
      %dma_wait3A_158 = tpu.memref_slice %arg5[%dma_wait3A_156, %dma_wait3A_157] : memref<40x128xi32, #tpu.memory_space<vmem>> -> memref<1x128xi32, #tpu.memory_space<vmem>>
      %dma_wait3A_159 = tpu.memref_squeeze %dma_wait3A_158 : memref<1x128xi32, #tpu.memory_space<vmem>> -> memref<128xi32, #tpu.memory_space<vmem>>
      %dma_wait3A_160 = arith.constant 0 : i32
      %dma_wait3A_161 = tpu.memref_slice %arg8[%dma_wait3A_160] : memref<10240xf32, #tpu.memory_space<vmem_shared>> -> memref<10240xf32, #tpu.memory_space<vmem_shared>>
      tpu.wait_indirect_dma semaphore(%arg7 : memref<!tpu.dma_semaphore, #tpu.memory_space<semaphore_mem>>) src(%arg6 : memref<128xf32, #tpu.memory_space<vmem>>) dst(%dma_wait3A_161 : memref<10240xf32, #tpu.memory_space<vmem_shared>>)
      %dma_wait3A_162 = arith.constant 0 : i32
      %dma_wait3A_163 = arith.constant 0 : i32
      %dma_wait3A_164 = tpu.memref_slice %arg5[%dma_wait3A_162, %dma_wait3A_163] : memref<40x128xi32, #tpu.memory_space<vmem>> -> memref<1x128xi32, #tpu.memory_space<vmem>>
      %dma_wait3A_165 = tpu.memref_squeeze %dma_wait3A_164 : memref<1x128xi32, #tpu.memory_space<vmem>> -> memref<128xi32, #tpu.memory_space<vmem>>
      %dma_wait3A_166 = arith.constant 0 : i32
      %dma_wait3A_167 = tpu.memref_slice %arg8[%dma_wait3A_166] : memref<10240xf32, #tpu.memory_space<vmem_shared>> -> memref<10240xf32, #tpu.memory_space<vmem_shared>>
      tpu.wait_indirect_dma semaphore(%arg7 : memref<!tpu.dma_semaphore, #tpu.memory_space<semaphore_mem>>) src(%arg6 : memref<128xf32, #tpu.memory_space<vmem>>) dst(%dma_wait3A_167 : memref<10240xf32, #tpu.memory_space<vmem_shared>>)
      %dma_wait3A_168 = arith.constant 0 : i32
      %dma_wait3A_169 = arith.constant 0 : i32
      %dma_wait3A_170 = tpu.memref_slice %arg5[%dma_wait3A_168, %dma_wait3A_169] : memref<40x128xi32, #tpu.memory_space<vmem>> -> memref<1x128xi32, #tpu.memory_space<vmem>>
      %dma_wait3A_171 = tpu.memref_squeeze %dma_wait3A_170 : memref<1x128xi32, #tpu.memory_space<vmem>> -> memref<128xi32, #tpu.memory_space<vmem>>
      %dma_wait3A_172 = arith.constant 0 : i32
      %dma_wait3A_173 = tpu.memref_slice %arg8[%dma_wait3A_172] : memref<10240xf32, #tpu.memory_space<vmem_shared>> -> memref<10240xf32, #tpu.memory_space<vmem_shared>>
      tpu.wait_indirect_dma semaphore(%arg7 : memref<!tpu.dma_semaphore, #tpu.memory_space<semaphore_mem>>) src(%arg6 : memref<128xf32, #tpu.memory_space<vmem>>) dst(%dma_wait3A_173 : memref<10240xf32, #tpu.memory_space<vmem_shared>>)
      %dma_wait3A_174 = arith.constant 0 : i32
      %dma_wait3A_175 = arith.constant 0 : i32
      %dma_wait3A_176 = tpu.memref_slice %arg5[%dma_wait3A_174, %dma_wait3A_175] : memref<40x128xi32, #tpu.memory_space<vmem>> -> memref<1x128xi32, #tpu.memory_space<vmem>>
      %dma_wait3A_177 = tpu.memref_squeeze %dma_wait3A_176 : memref<1x128xi32, #tpu.memory_space<vmem>> -> memref<128xi32, #tpu.memory_space<vmem>>
      %dma_wait3A_178 = arith.constant 0 : i32
      %dma_wait3A_179 = tpu.memref_slice %arg8[%dma_wait3A_178] : memref<10240xf32, #tpu.memory_space<vmem_shared>> -> memref<10240xf32, #tpu.memory_space<vmem_shared>>
      tpu.wait_indirect_dma semaphore(%arg7 : memref<!tpu.dma_semaphore, #tpu.memory_space<semaphore_mem>>) src(%arg6 : memref<128xf32, #tpu.memory_space<vmem>>) dst(%dma_wait3A_179 : memref<10240xf32, #tpu.memory_space<vmem_shared>>)
    }
    %scan3A_55 = arith.constant 5 : i32
    %barrier3A_56 = arith.constant 0 : index
    tpu.barrier barrier_id(%barrier3A_56)
    %mul3A_57 = arith.constant 640 : i32
    %mul3A_58 = arith.muli %arg1, %mul3A_57 : i32
    %mul3A_59 = arith.constant 640 : i32
    %mul3A_60 = arith.muli %arg1, %mul3A_59 : i32
    "tpu.region"() ({
      %run_scoped3A = tpu.sem_alloc : memref<!tpu.dma_semaphore, #tpu.memory_space<semaphore_mem>>
      %dma_start3A = tpu.memref_slice %arg4[%arg0, %mul3A_60] : memref<2x10240xf32, #tpu.memory_space<hbm>> -> memref<1x640xf32, #tpu.memory_space<hbm>>
      %dma_start3A_61 = tpu.memref_squeeze %dma_start3A : memref<1x640xf32, #tpu.memory_space<hbm>> -> memref<640xf32, #tpu.memory_space<hbm>>
      %dma_start3A_62 = tpu.memref_slice %arg8[%mul3A_58] : memref<10240xf32, #tpu.memory_space<vmem_shared>> -> memref<640xf32, #tpu.memory_space<vmem_shared>>
      tpu.enqueue_dma source(%dma_start3A_62 : memref<640xf32, #tpu.memory_space<vmem_shared>>) target(%dma_start3A_61 : memref<640xf32, #tpu.memory_space<hbm>>) target_semaphore(%run_scoped3A : memref<!tpu.dma_semaphore, #tpu.memory_space<semaphore_mem>>)
      %dma_wait3A = tpu.memref_slice %arg4[%arg0, %mul3A_60] : memref<2x10240xf32, #tpu.memory_space<hbm>> -> memref<1x640xf32, #tpu.memory_space<hbm>>
      %dma_wait3A_63 = tpu.memref_squeeze %dma_wait3A : memref<1x640xf32, #tpu.memory_space<hbm>> -> memref<640xf32, #tpu.memory_space<hbm>>
      %dma_wait3A_64 = tpu.memref_slice %arg8[%mul3A_58] : memref<10240xf32, #tpu.memory_space<vmem_shared>> -> memref<640xf32, #tpu.memory_space<vmem_shared>>
      tpu.wait_dma2 semaphore(%run_scoped3A : memref<!tpu.dma_semaphore, #tpu.memory_space<semaphore_mem>>) src(%dma_wait3A_64 : memref<640xf32, #tpu.memory_space<vmem_shared>>) dst(%dma_wait3A_63 : memref<640xf32, #tpu.memory_space<hbm>>)
      tpu.yield
    }) : () -> ()
    return
  }
}

#map = affine_map<(d0, d1) -> (0)>
#map1 = affine_map<(d0, d1) -> (0, 0)>
module attributes {stable_mosaic.version = 14 : i64} {
  func.func @_scalar_scatter(%arg0: i32, %arg1: i32, %arg2: memref<10000xf32, #tpu.memory_space<hbm>>, %arg3: memref<1280x128xi32, #tpu.memory_space<hbm>>, %arg4: memref<1280x128xi32, #tpu.memory_space<hbm>>, %arg5: memref<640xf32, #tpu.memory_space<hbm>>, %arg6: memref<2x10240xf32, #tpu.memory_space<hbm>>, %arg7: memref<40x128xi32, #tpu.memory_space<vmem>>, %arg8: memref<40x128xi32, #tpu.memory_space<vmem>>, %arg9: memref<128xf32, #tpu.memory_space<vmem>>, %arg10: memref<128xf32, #tpu.memory_space<vmem>>, %arg11: memref<128xf32, #tpu.memory_space<vmem>>, %arg12: memref<128xf32, #tpu.memory_space<vmem>>, %arg13: memref<!tpu.dma_semaphore, #tpu.memory_space<semaphore_mem>>, %arg14: memref<!tpu.dma_semaphore, #tpu.memory_space<semaphore_mem>>, %arg15: memref<!tpu.dma_semaphore, #tpu.memory_space<semaphore_mem>>, %arg16: memref<!tpu.dma_semaphore, #tpu.memory_space<semaphore_mem>>, %arg17: memref<!tpu.dma_semaphore, #tpu.memory_space<semaphore_mem>>, %arg18: memref<!tpu.dma_semaphore, #tpu.memory_space<semaphore_mem>>, %arg19: memref<!tpu.dma_semaphore, #tpu.memory_space<semaphore_mem>>, %arg20: memref<!tpu.dma_semaphore, #tpu.memory_space<semaphore_mem>>, %arg21: memref<10240xf32, #tpu.memory_space<vmem_shared>>, %arg22: memref<10000xf32, #tpu.memory_space<vmem_shared>>) attributes {dimension_semantics = [#tpu.dimension_semantics<core_parallel>, #tpu.dimension_semantics<subcore_parallel>], iteration_bounds = array<i64: 2, 16>, scalar_prefetch = 0 : i64, scratch_operands = 16 : i64, tpu.core_type = #tpu.core_type<sc_vector_subcore>, window_params = [{transform_indices = #map}, {transform_indices = #map1}, {transform_indices = #map1}, {transform_indices = #map}, {transform_indices = #map1}]} {
    %mul3A = arith.constant 2 : i32
    %mul3A_0 = arith.muli %arg1, %mul3A : i32
    %add3A = arith.addi %mul3A_0, %arg0 : i32
    %mul3A_1 = arith.constant 640 : i32
    %mul3A_2 = arith.muli %arg1, %mul3A_1 : i32
    "tpu.region"() ({
      %run_scoped3A = tpu.sem_alloc : memref<!tpu.dma_semaphore, #tpu.memory_space<semaphore_mem>>
      %dma_start3A_42 = tpu.memref_slice %arg21[%mul3A_2] : memref<10240xf32, #tpu.memory_space<vmem_shared>> -> memref<640xf32, #tpu.memory_space<vmem_shared>>
      tpu.enqueue_dma source(%arg5 : memref<640xf32, #tpu.memory_space<hbm>>) target(%dma_start3A_42 : memref<640xf32, #tpu.memory_space<vmem_shared>>) target_semaphore(%run_scoped3A : memref<!tpu.dma_semaphore, #tpu.memory_space<semaphore_mem>>)
      %dma_wait3A = tpu.memref_slice %arg21[%mul3A_2] : memref<10240xf32, #tpu.memory_space<vmem_shared>> -> memref<640xf32, #tpu.memory_space<vmem_shared>>
      tpu.wait_dma2 semaphore(%run_scoped3A : memref<!tpu.dma_semaphore, #tpu.memory_space<semaphore_mem>>) src(%arg5 : memref<640xf32, #tpu.memory_space<hbm>>) dst(%dma_wait3A : memref<640xf32, #tpu.memory_space<vmem_shared>>)
      tpu.yield
    }) : () -> ()
    %mul3A_3 = arith.constant 40 : i32
    %mul3A_4 = arith.muli %add3A, %mul3A_3 : i32
    "tpu.region"() ({
      %run_scoped3A = tpu.sem_alloc : memref<!tpu.dma_semaphore, #tpu.memory_space<semaphore_mem>>
      %dma_start3A_42 = arith.constant 0 : i32
      %dma_start3A_43 = tpu.memref_slice %arg3[%mul3A_4, %dma_start3A_42] : memref<1280x128xi32, #tpu.memory_space<hbm>> -> memref<40x128xi32, #tpu.memory_space<hbm>>
      %dma_start3A_44 = arith.constant 0 : i32
      %dma_start3A_45 = tpu.memref_slice %arg3[%mul3A_4, %dma_start3A_44] : memref<1280x128xi32, #tpu.memory_space<hbm>> -> memref<40x128xi32, #tpu.memory_space<hbm>>
      tpu.enqueue_dma source(%dma_start3A_45 : memref<40x128xi32, #tpu.memory_space<hbm>>) target(%arg7 : memref<40x128xi32, #tpu.memory_space<vmem>>) target_semaphore(%run_scoped3A : memref<!tpu.dma_semaphore, #tpu.memory_space<semaphore_mem>>)
      %dma_wait3A = arith.constant 0 : i32
      %dma_wait3A_46 = tpu.memref_slice %arg3[%mul3A_4, %dma_wait3A] : memref<1280x128xi32, #tpu.memory_space<hbm>> -> memref<40x128xi32, #tpu.memory_space<hbm>>
      %dma_wait3A_47 = arith.constant 0 : i32
      %dma_wait3A_48 = tpu.memref_slice %arg3[%mul3A_4, %dma_wait3A_47] : memref<1280x128xi32, #tpu.memory_space<hbm>> -> memref<40x128xi32, #tpu.memory_space<hbm>>
      tpu.wait_dma2 semaphore(%run_scoped3A : memref<!tpu.dma_semaphore, #tpu.memory_space<semaphore_mem>>) src(%dma_wait3A_48 : memref<40x128xi32, #tpu.memory_space<hbm>>) dst(%arg7 : memref<40x128xi32, #tpu.memory_space<vmem>>)
      tpu.yield
    }) : () -> ()
    %mul3A_5 = arith.constant 40 : i32
    %mul3A_6 = arith.muli %add3A, %mul3A_5 : i32
    "tpu.region"() ({
      %run_scoped3A = tpu.sem_alloc : memref<!tpu.dma_semaphore, #tpu.memory_space<semaphore_mem>>
      %dma_start3A_42 = arith.constant 0 : i32
      %dma_start3A_43 = tpu.memref_slice %arg4[%mul3A_6, %dma_start3A_42] : memref<1280x128xi32, #tpu.memory_space<hbm>> -> memref<40x128xi32, #tpu.memory_space<hbm>>
      %dma_start3A_44 = arith.constant 0 : i32
      %dma_start3A_45 = tpu.memref_slice %arg4[%mul3A_6, %dma_start3A_44] : memref<1280x128xi32, #tpu.memory_space<hbm>> -> memref<40x128xi32, #tpu.memory_space<hbm>>
      tpu.enqueue_dma source(%dma_start3A_45 : memref<40x128xi32, #tpu.memory_space<hbm>>) target(%arg8 : memref<40x128xi32, #tpu.memory_space<vmem>>) target_semaphore(%run_scoped3A : memref<!tpu.dma_semaphore, #tpu.memory_space<semaphore_mem>>)
      %dma_wait3A = arith.constant 0 : i32
      %dma_wait3A_46 = tpu.memref_slice %arg4[%mul3A_6, %dma_wait3A] : memref<1280x128xi32, #tpu.memory_space<hbm>> -> memref<40x128xi32, #tpu.memory_space<hbm>>
      %dma_wait3A_47 = arith.constant 0 : i32
      %dma_wait3A_48 = tpu.memref_slice %arg4[%mul3A_6, %dma_wait3A_47] : memref<1280x128xi32, #tpu.memory_space<hbm>> -> memref<40x128xi32, #tpu.memory_space<hbm>>
      tpu.wait_dma2 semaphore(%run_scoped3A : memref<!tpu.dma_semaphore, #tpu.memory_space<semaphore_mem>>) src(%dma_wait3A_48 : memref<40x128xi32, #tpu.memory_space<hbm>>) dst(%arg8 : memref<40x128xi32, #tpu.memory_space<vmem>>)
      tpu.yield
    }) : () -> ()
    %eq3A = arith.constant 0 : i32
    %eq3A_7 = arith.cmpi eq, %arg1, %eq3A : i32
    %convert_element_type3A = arith.extui %eq3A_7 : i1 to i32
    %cond3A = arith.constant 0 : i32
    %cond3A_8 = arith.cmpi ne, %convert_element_type3A, %cond3A : i32
    scf.if %cond3A_8 {
      "tpu.region"() ({
        %run_scoped3A = tpu.sem_alloc : memref<!tpu.dma_semaphore, #tpu.memory_space<semaphore_mem>>
        tpu.enqueue_dma source(%arg2 : memref<10000xf32, #tpu.memory_space<hbm>>) target(%arg22 : memref<10000xf32, #tpu.memory_space<vmem_shared>>) target_semaphore(%run_scoped3A : memref<!tpu.dma_semaphore, #tpu.memory_space<semaphore_mem>>)
        tpu.wait_dma2 semaphore(%run_scoped3A : memref<!tpu.dma_semaphore, #tpu.memory_space<semaphore_mem>>) src(%arg2 : memref<10000xf32, #tpu.memory_space<hbm>>) dst(%arg22 : memref<10000xf32, #tpu.memory_space<vmem_shared>>)
        tpu.yield
      }) : () -> ()
    } else {
    }
    %barrier3A = arith.constant 0 : index
    tpu.barrier barrier_id(%barrier3A)
    %dma_start3A = arith.constant 0 : i32
    %dma_start3A_9 = arith.constant 0 : i32
    %dma_start3A_10 = tpu.memref_slice %arg7[%dma_start3A, %dma_start3A_9] : memref<40x128xi32, #tpu.memory_space<vmem>> -> memref<1x128xi32, #tpu.memory_space<vmem>>
    %dma_start3A_11 = tpu.memref_squeeze %dma_start3A_10 : memref<1x128xi32, #tpu.memory_space<vmem>> -> memref<128xi32, #tpu.memory_space<vmem>>
    %dma_start3A_12 = arith.constant 0 : i32
    %dma_start3A_13 = tpu.memref_slice %arg22[%dma_start3A_12] : memref<10000xf32, #tpu.memory_space<vmem_shared>> -> memref<10000xf32, #tpu.memory_space<vmem_shared>>
    tpu.enqueue_indirect_dma source(%dma_start3A_13 : memref<10000xf32, #tpu.memory_space<vmem_shared>>) target(%arg9 : memref<128xf32, #tpu.memory_space<vmem>>) offsets(%dma_start3A_11 : memref<128xi32, #tpu.memory_space<vmem>>) semaphore(%arg13 : memref<!tpu.dma_semaphore, #tpu.memory_space<semaphore_mem>>)
    %dma_start3A_14 = arith.constant 1 : i32
    %dma_start3A_15 = arith.constant 0 : i32
    %dma_start3A_16 = tpu.memref_slice %arg7[%dma_start3A_14, %dma_start3A_15] : memref<40x128xi32, #tpu.memory_space<vmem>> -> memref<1x128xi32, #tpu.memory_space<vmem>>
    %dma_start3A_17 = tpu.memref_squeeze %dma_start3A_16 : memref<1x128xi32, #tpu.memory_space<vmem>> -> memref<128xi32, #tpu.memory_space<vmem>>
    %dma_start3A_18 = arith.constant 0 : i32
    %dma_start3A_19 = tpu.memref_slice %arg22[%dma_start3A_18] : memref<10000xf32, #tpu.memory_space<vmem_shared>> -> memref<10000xf32, #tpu.memory_space<vmem_shared>>
    tpu.enqueue_indirect_dma source(%dma_start3A_19 : memref<10000xf32, #tpu.memory_space<vmem_shared>>) target(%arg10 : memref<128xf32, #tpu.memory_space<vmem>>) offsets(%dma_start3A_17 : memref<128xi32, #tpu.memory_space<vmem>>) semaphore(%arg14 : memref<!tpu.dma_semaphore, #tpu.memory_space<semaphore_mem>>)
    %dma_start3A_20 = arith.constant 2 : i32
    %dma_start3A_21 = arith.constant 0 : i32
    %dma_start3A_22 = tpu.memref_slice %arg7[%dma_start3A_20, %dma_start3A_21] : memref<40x128xi32, #tpu.memory_space<vmem>> -> memref<1x128xi32, #tpu.memory_space<vmem>>
    %dma_start3A_23 = tpu.memref_squeeze %dma_start3A_22 : memref<1x128xi32, #tpu.memory_space<vmem>> -> memref<128xi32, #tpu.memory_space<vmem>>
    %dma_start3A_24 = arith.constant 0 : i32
    %dma_start3A_25 = tpu.memref_slice %arg22[%dma_start3A_24] : memref<10000xf32, #tpu.memory_space<vmem_shared>> -> memref<10000xf32, #tpu.memory_space<vmem_shared>>
    tpu.enqueue_indirect_dma source(%dma_start3A_25 : memref<10000xf32, #tpu.memory_space<vmem_shared>>) target(%arg11 : memref<128xf32, #tpu.memory_space<vmem>>) offsets(%dma_start3A_23 : memref<128xi32, #tpu.memory_space<vmem>>) semaphore(%arg15 : memref<!tpu.dma_semaphore, #tpu.memory_space<semaphore_mem>>)
    %dma_start3A_26 = arith.constant 3 : i32
    %dma_start3A_27 = arith.constant 0 : i32
    %dma_start3A_28 = tpu.memref_slice %arg7[%dma_start3A_26, %dma_start3A_27] : memref<40x128xi32, #tpu.memory_space<vmem>> -> memref<1x128xi32, #tpu.memory_space<vmem>>
    %dma_start3A_29 = tpu.memref_squeeze %dma_start3A_28 : memref<1x128xi32, #tpu.memory_space<vmem>> -> memref<128xi32, #tpu.memory_space<vmem>>
    %dma_start3A_30 = arith.constant 0 : i32
    %dma_start3A_31 = tpu.memref_slice %arg22[%dma_start3A_30] : memref<10000xf32, #tpu.memory_space<vmem_shared>> -> memref<10000xf32, #tpu.memory_space<vmem_shared>>
    tpu.enqueue_indirect_dma source(%dma_start3A_31 : memref<10000xf32, #tpu.memory_space<vmem_shared>>) target(%arg12 : memref<128xf32, #tpu.memory_space<vmem>>) offsets(%dma_start3A_29 : memref<128xi32, #tpu.memory_space<vmem>>) semaphore(%arg16 : memref<!tpu.dma_semaphore, #tpu.memory_space<semaphore_mem>>)
    %scan3A = arith.constant 0 : i32
    %scan3A_32 = arith.constant 0 : i32
    %scan3A_33 = arith.constant 10 : i32
    %scan3A_34 = arith.addi %scan3A_32, %scan3A_33 : i32
    %scan3A_35 = arith.constant 1 : i32
    scf.for %scan3A_42 = %scan3A_32 to %scan3A_34 step %scan3A_35  : i32 {
      %mul3A_43 = arith.constant 4 : i32
      %mul3A_44 = arith.muli %scan3A_42, %mul3A_43 : i32
      %add3A_45 = arith.constant 0 : i32
      %add3A_46 = arith.addi %mul3A_44, %add3A_45 : i32
      %dma_wait3A = arith.constant 0 : i32
      %dma_wait3A_47 = tpu.memref_slice %arg7[%add3A_46, %dma_wait3A] : memref<40x128xi32, #tpu.memory_space<vmem>> -> memref<1x128xi32, #tpu.memory_space<vmem>>
      %dma_wait3A_48 = tpu.memref_squeeze %dma_wait3A_47 : memref<1x128xi32, #tpu.memory_space<vmem>> -> memref<128xi32, #tpu.memory_space<vmem>>
      %dma_wait3A_49 = arith.constant 0 : i32
      %dma_wait3A_50 = tpu.memref_slice %arg22[%dma_wait3A_49] : memref<10000xf32, #tpu.memory_space<vmem_shared>> -> memref<10000xf32, #tpu.memory_space<vmem_shared>>
      tpu.wait_indirect_dma semaphore(%arg13 : memref<!tpu.dma_semaphore, #tpu.memory_space<semaphore_mem>>) src(%dma_wait3A_50 : memref<10000xf32, #tpu.memory_space<vmem_shared>>) dst(%arg9 : memref<128xf32, #tpu.memory_space<vmem>>)
      %dma_start3A_51 = arith.constant 0 : i32
      %dma_start3A_52 = tpu.memref_slice %arg8[%add3A_46, %dma_start3A_51] : memref<40x128xi32, #tpu.memory_space<vmem>> -> memref<1x128xi32, #tpu.memory_space<vmem>>
      %dma_start3A_53 = tpu.memref_squeeze %dma_start3A_52 : memref<1x128xi32, #tpu.memory_space<vmem>> -> memref<128xi32, #tpu.memory_space<vmem>>
      %dma_start3A_54 = arith.constant 0 : i32
      %dma_start3A_55 = tpu.memref_slice %arg21[%dma_start3A_54] : memref<10240xf32, #tpu.memory_space<vmem_shared>> -> memref<10240xf32, #tpu.memory_space<vmem_shared>>
      tpu.enqueue_indirect_dma source(%arg9 : memref<128xf32, #tpu.memory_space<vmem>>) target(%dma_start3A_55 : memref<10240xf32, #tpu.memory_space<vmem_shared>>) offsets(%dma_start3A_53 : memref<128xi32, #tpu.memory_space<vmem>>) semaphore(%arg17 : memref<!tpu.dma_semaphore, #tpu.memory_space<semaphore_mem>>) {add = true}
      %add3A_56 = arith.constant 1 : i32
      %add3A_57 = arith.addi %mul3A_44, %add3A_56 : i32
      %dma_wait3A_58 = arith.constant 0 : i32
      %dma_wait3A_59 = tpu.memref_slice %arg7[%add3A_57, %dma_wait3A_58] : memref<40x128xi32, #tpu.memory_space<vmem>> -> memref<1x128xi32, #tpu.memory_space<vmem>>
      %dma_wait3A_60 = tpu.memref_squeeze %dma_wait3A_59 : memref<1x128xi32, #tpu.memory_space<vmem>> -> memref<128xi32, #tpu.memory_space<vmem>>
      %dma_wait3A_61 = arith.constant 0 : i32
      %dma_wait3A_62 = tpu.memref_slice %arg22[%dma_wait3A_61] : memref<10000xf32, #tpu.memory_space<vmem_shared>> -> memref<10000xf32, #tpu.memory_space<vmem_shared>>
      tpu.wait_indirect_dma semaphore(%arg14 : memref<!tpu.dma_semaphore, #tpu.memory_space<semaphore_mem>>) src(%dma_wait3A_62 : memref<10000xf32, #tpu.memory_space<vmem_shared>>) dst(%arg10 : memref<128xf32, #tpu.memory_space<vmem>>)
      %dma_start3A_63 = arith.constant 0 : i32
      %dma_start3A_64 = tpu.memref_slice %arg8[%add3A_57, %dma_start3A_63] : memref<40x128xi32, #tpu.memory_space<vmem>> -> memref<1x128xi32, #tpu.memory_space<vmem>>
      %dma_start3A_65 = tpu.memref_squeeze %dma_start3A_64 : memref<1x128xi32, #tpu.memory_space<vmem>> -> memref<128xi32, #tpu.memory_space<vmem>>
      %dma_start3A_66 = arith.constant 0 : i32
      %dma_start3A_67 = tpu.memref_slice %arg21[%dma_start3A_66] : memref<10240xf32, #tpu.memory_space<vmem_shared>> -> memref<10240xf32, #tpu.memory_space<vmem_shared>>
      tpu.enqueue_indirect_dma source(%arg10 : memref<128xf32, #tpu.memory_space<vmem>>) target(%dma_start3A_67 : memref<10240xf32, #tpu.memory_space<vmem_shared>>) offsets(%dma_start3A_65 : memref<128xi32, #tpu.memory_space<vmem>>) semaphore(%arg18 : memref<!tpu.dma_semaphore, #tpu.memory_space<semaphore_mem>>) {add = true}
      %add3A_68 = arith.constant 2 : i32
      %add3A_69 = arith.addi %mul3A_44, %add3A_68 : i32
      %dma_wait3A_70 = arith.constant 0 : i32
      %dma_wait3A_71 = tpu.memref_slice %arg7[%add3A_69, %dma_wait3A_70] : memref<40x128xi32, #tpu.memory_space<vmem>> -> memref<1x128xi32, #tpu.memory_space<vmem>>
      %dma_wait3A_72 = tpu.memref_squeeze %dma_wait3A_71 : memref<1x128xi32, #tpu.memory_space<vmem>> -> memref<128xi32, #tpu.memory_space<vmem>>
      %dma_wait3A_73 = arith.constant 0 : i32
      %dma_wait3A_74 = tpu.memref_slice %arg22[%dma_wait3A_73] : memref<10000xf32, #tpu.memory_space<vmem_shared>> -> memref<10000xf32, #tpu.memory_space<vmem_shared>>
      tpu.wait_indirect_dma semaphore(%arg15 : memref<!tpu.dma_semaphore, #tpu.memory_space<semaphore_mem>>) src(%dma_wait3A_74 : memref<10000xf32, #tpu.memory_space<vmem_shared>>) dst(%arg11 : memref<128xf32, #tpu.memory_space<vmem>>)
      %dma_start3A_75 = arith.constant 0 : i32
      %dma_start3A_76 = tpu.memref_slice %arg8[%add3A_69, %dma_start3A_75] : memref<40x128xi32, #tpu.memory_space<vmem>> -> memref<1x128xi32, #tpu.memory_space<vmem>>
      %dma_start3A_77 = tpu.memref_squeeze %dma_start3A_76 : memref<1x128xi32, #tpu.memory_space<vmem>> -> memref<128xi32, #tpu.memory_space<vmem>>
      %dma_start3A_78 = arith.constant 0 : i32
      %dma_start3A_79 = tpu.memref_slice %arg21[%dma_start3A_78] : memref<10240xf32, #tpu.memory_space<vmem_shared>> -> memref<10240xf32, #tpu.memory_space<vmem_shared>>
      tpu.enqueue_indirect_dma source(%arg11 : memref<128xf32, #tpu.memory_space<vmem>>) target(%dma_start3A_79 : memref<10240xf32, #tpu.memory_space<vmem_shared>>) offsets(%dma_start3A_77 : memref<128xi32, #tpu.memory_space<vmem>>) semaphore(%arg19 : memref<!tpu.dma_semaphore, #tpu.memory_space<semaphore_mem>>) {add = true}
      %add3A_80 = arith.constant 3 : i32
      %add3A_81 = arith.addi %mul3A_44, %add3A_80 : i32
      %dma_wait3A_82 = arith.constant 0 : i32
      %dma_wait3A_83 = tpu.memref_slice %arg7[%add3A_81, %dma_wait3A_82] : memref<40x128xi32, #tpu.memory_space<vmem>> -> memref<1x128xi32, #tpu.memory_space<vmem>>
      %dma_wait3A_84 = tpu.memref_squeeze %dma_wait3A_83 : memref<1x128xi32, #tpu.memory_space<vmem>> -> memref<128xi32, #tpu.memory_space<vmem>>
      %dma_wait3A_85 = arith.constant 0 : i32
      %dma_wait3A_86 = tpu.memref_slice %arg22[%dma_wait3A_85] : memref<10000xf32, #tpu.memory_space<vmem_shared>> -> memref<10000xf32, #tpu.memory_space<vmem_shared>>
      tpu.wait_indirect_dma semaphore(%arg16 : memref<!tpu.dma_semaphore, #tpu.memory_space<semaphore_mem>>) src(%dma_wait3A_86 : memref<10000xf32, #tpu.memory_space<vmem_shared>>) dst(%arg12 : memref<128xf32, #tpu.memory_space<vmem>>)
      %dma_start3A_87 = arith.constant 0 : i32
      %dma_start3A_88 = tpu.memref_slice %arg8[%add3A_81, %dma_start3A_87] : memref<40x128xi32, #tpu.memory_space<vmem>> -> memref<1x128xi32, #tpu.memory_space<vmem>>
      %dma_start3A_89 = tpu.memref_squeeze %dma_start3A_88 : memref<1x128xi32, #tpu.memory_space<vmem>> -> memref<128xi32, #tpu.memory_space<vmem>>
      %dma_start3A_90 = arith.constant 0 : i32
      %dma_start3A_91 = tpu.memref_slice %arg21[%dma_start3A_90] : memref<10240xf32, #tpu.memory_space<vmem_shared>> -> memref<10240xf32, #tpu.memory_space<vmem_shared>>
      tpu.enqueue_indirect_dma source(%arg12 : memref<128xf32, #tpu.memory_space<vmem>>) target(%dma_start3A_91 : memref<10240xf32, #tpu.memory_space<vmem_shared>>) offsets(%dma_start3A_89 : memref<128xi32, #tpu.memory_space<vmem>>) semaphore(%arg20 : memref<!tpu.dma_semaphore, #tpu.memory_space<semaphore_mem>>) {add = true}
      %add3A_92 = arith.constant 0 : i32
      %add3A_93 = arith.addi %mul3A_44, %add3A_92 : i32
      %dma_wait3A_94 = arith.constant 0 : i32
      %dma_wait3A_95 = tpu.memref_slice %arg8[%add3A_93, %dma_wait3A_94] : memref<40x128xi32, #tpu.memory_space<vmem>> -> memref<1x128xi32, #tpu.memory_space<vmem>>
      %dma_wait3A_96 = tpu.memref_squeeze %dma_wait3A_95 : memref<1x128xi32, #tpu.memory_space<vmem>> -> memref<128xi32, #tpu.memory_space<vmem>>
      %dma_wait3A_97 = arith.constant 0 : i32
      %dma_wait3A_98 = tpu.memref_slice %arg21[%dma_wait3A_97] : memref<10240xf32, #tpu.memory_space<vmem_shared>> -> memref<10240xf32, #tpu.memory_space<vmem_shared>>
      tpu.wait_indirect_dma semaphore(%arg17 : memref<!tpu.dma_semaphore, #tpu.memory_space<semaphore_mem>>) src(%arg9 : memref<128xf32, #tpu.memory_space<vmem>>) dst(%dma_wait3A_98 : memref<10240xf32, #tpu.memory_space<vmem_shared>>)
      %add3A_99 = arith.constant 4 : i32
      %add3A_100 = arith.addi %add3A_93, %add3A_99 : i32
      %lt3A = arith.constant 40 : i32
      %lt3A_101 = arith.cmpi slt, %add3A_100, %lt3A : i32
      %convert_element_type3A_102 = arith.extui %lt3A_101 : i1 to i32
      %cond3A_103 = arith.constant 0 : i32
      %cond3A_104 = arith.cmpi ne, %convert_element_type3A_102, %cond3A_103 : i32
      scf.if %cond3A_104 {
        %add3A_147 = arith.constant 4 : i32
        %add3A_148 = arith.addi %add3A_93, %add3A_147 : i32
        %dma_start3A_149 = arith.constant 0 : i32
        %dma_start3A_150 = tpu.memref_slice %arg7[%add3A_148, %dma_start3A_149] : memref<40x128xi32, #tpu.memory_space<vmem>> -> memref<1x128xi32, #tpu.memory_space<vmem>>
        %dma_start3A_151 = tpu.memref_squeeze %dma_start3A_150 : memref<1x128xi32, #tpu.memory_space<vmem>> -> memref<128xi32, #tpu.memory_space<vmem>>
        %dma_start3A_152 = arith.constant 0 : i32
        %dma_start3A_153 = tpu.memref_slice %arg22[%dma_start3A_152] : memref<10000xf32, #tpu.memory_space<vmem_shared>> -> memref<10000xf32, #tpu.memory_space<vmem_shared>>
        tpu.enqueue_indirect_dma source(%dma_start3A_153 : memref<10000xf32, #tpu.memory_space<vmem_shared>>) target(%arg9 : memref<128xf32, #tpu.memory_space<vmem>>) offsets(%dma_start3A_151 : memref<128xi32, #tpu.memory_space<vmem>>) semaphore(%arg13 : memref<!tpu.dma_semaphore, #tpu.memory_space<semaphore_mem>>)
      } else {
      }
      %add3A_105 = arith.constant 1 : i32
      %add3A_106 = arith.addi %mul3A_44, %add3A_105 : i32
      %dma_wait3A_107 = arith.constant 0 : i32
      %dma_wait3A_108 = tpu.memref_slice %arg8[%add3A_106, %dma_wait3A_107] : memref<40x128xi32, #tpu.memory_space<vmem>> -> memref<1x128xi32, #tpu.memory_space<vmem>>
      %dma_wait3A_109 = tpu.memref_squeeze %dma_wait3A_108 : memref<1x128xi32, #tpu.memory_space<vmem>> -> memref<128xi32, #tpu.memory_space<vmem>>
      %dma_wait3A_110 = arith.constant 0 : i32
      %dma_wait3A_111 = tpu.memref_slice %arg21[%dma_wait3A_110] : memref<10240xf32, #tpu.memory_space<vmem_shared>> -> memref<10240xf32, #tpu.memory_space<vmem_shared>>
      tpu.wait_indirect_dma semaphore(%arg18 : memref<!tpu.dma_semaphore, #tpu.memory_space<semaphore_mem>>) src(%arg10 : memref<128xf32, #tpu.memory_space<vmem>>) dst(%dma_wait3A_111 : memref<10240xf32, #tpu.memory_space<vmem_shared>>)
      %add3A_112 = arith.constant 4 : i32
      %add3A_113 = arith.addi %add3A_106, %add3A_112 : i32
      %lt3A_114 = arith.constant 40 : i32
      %lt3A_115 = arith.cmpi slt, %add3A_113, %lt3A_114 : i32
      %convert_element_type3A_116 = arith.extui %lt3A_115 : i1 to i32
      %cond3A_117 = arith.constant 0 : i32
      %cond3A_118 = arith.cmpi ne, %convert_element_type3A_116, %cond3A_117 : i32
      scf.if %cond3A_118 {
        %add3A_147 = arith.constant 4 : i32
        %add3A_148 = arith.addi %add3A_106, %add3A_147 : i32
        %dma_start3A_149 = arith.constant 0 : i32
        %dma_start3A_150 = tpu.memref_slice %arg7[%add3A_148, %dma_start3A_149] : memref<40x128xi32, #tpu.memory_space<vmem>> -> memref<1x128xi32, #tpu.memory_space<vmem>>
        %dma_start3A_151 = tpu.memref_squeeze %dma_start3A_150 : memref<1x128xi32, #tpu.memory_space<vmem>> -> memref<128xi32, #tpu.memory_space<vmem>>
        %dma_start3A_152 = arith.constant 0 : i32
        %dma_start3A_153 = tpu.memref_slice %arg22[%dma_start3A_152] : memref<10000xf32, #tpu.memory_space<vmem_shared>> -> memref<10000xf32, #tpu.memory_space<vmem_shared>>
        tpu.enqueue_indirect_dma source(%dma_start3A_153 : memref<10000xf32, #tpu.memory_space<vmem_shared>>) target(%arg10 : memref<128xf32, #tpu.memory_space<vmem>>) offsets(%dma_start3A_151 : memref<128xi32, #tpu.memory_space<vmem>>) semaphore(%arg14 : memref<!tpu.dma_semaphore, #tpu.memory_space<semaphore_mem>>)
      } else {
      }
      %add3A_119 = arith.constant 2 : i32
      %add3A_120 = arith.addi %mul3A_44, %add3A_119 : i32
      %dma_wait3A_121 = arith.constant 0 : i32
      %dma_wait3A_122 = tpu.memref_slice %arg8[%add3A_120, %dma_wait3A_121] : memref<40x128xi32, #tpu.memory_space<vmem>> -> memref<1x128xi32, #tpu.memory_space<vmem>>
      %dma_wait3A_123 = tpu.memref_squeeze %dma_wait3A_122 : memref<1x128xi32, #tpu.memory_space<vmem>> -> memref<128xi32, #tpu.memory_space<vmem>>
      %dma_wait3A_124 = arith.constant 0 : i32
      %dma_wait3A_125 = tpu.memref_slice %arg21[%dma_wait3A_124] : memref<10240xf32, #tpu.memory_space<vmem_shared>> -> memref<10240xf32, #tpu.memory_space<vmem_shared>>
      tpu.wait_indirect_dma semaphore(%arg19 : memref<!tpu.dma_semaphore, #tpu.memory_space<semaphore_mem>>) src(%arg11 : memref<128xf32, #tpu.memory_space<vmem>>) dst(%dma_wait3A_125 : memref<10240xf32, #tpu.memory_space<vmem_shared>>)
      %add3A_126 = arith.constant 4 : i32
      %add3A_127 = arith.addi %add3A_120, %add3A_126 : i32
      %lt3A_128 = arith.constant 40 : i32
      %lt3A_129 = arith.cmpi slt, %add3A_127, %lt3A_128 : i32
      %convert_element_type3A_130 = arith.extui %lt3A_129 : i1 to i32
      %cond3A_131 = arith.constant 0 : i32
      %cond3A_132 = arith.cmpi ne, %convert_element_type3A_130, %cond3A_131 : i32
      scf.if %cond3A_132 {
        %add3A_147 = arith.constant 4 : i32
        %add3A_148 = arith.addi %add3A_120, %add3A_147 : i32
        %dma_start3A_149 = arith.constant 0 : i32
        %dma_start3A_150 = tpu.memref_slice %arg7[%add3A_148, %dma_start3A_149] : memref<40x128xi32, #tpu.memory_space<vmem>> -> memref<1x128xi32, #tpu.memory_space<vmem>>
        %dma_start3A_151 = tpu.memref_squeeze %dma_start3A_150 : memref<1x128xi32, #tpu.memory_space<vmem>> -> memref<128xi32, #tpu.memory_space<vmem>>
        %dma_start3A_152 = arith.constant 0 : i32
        %dma_start3A_153 = tpu.memref_slice %arg22[%dma_start3A_152] : memref<10000xf32, #tpu.memory_space<vmem_shared>> -> memref<10000xf32, #tpu.memory_space<vmem_shared>>
        tpu.enqueue_indirect_dma source(%dma_start3A_153 : memref<10000xf32, #tpu.memory_space<vmem_shared>>) target(%arg11 : memref<128xf32, #tpu.memory_space<vmem>>) offsets(%dma_start3A_151 : memref<128xi32, #tpu.memory_space<vmem>>) semaphore(%arg15 : memref<!tpu.dma_semaphore, #tpu.memory_space<semaphore_mem>>)
      } else {
      }
      %add3A_133 = arith.constant 3 : i32
      %add3A_134 = arith.addi %mul3A_44, %add3A_133 : i32
      %dma_wait3A_135 = arith.constant 0 : i32
      %dma_wait3A_136 = tpu.memref_slice %arg8[%add3A_134, %dma_wait3A_135] : memref<40x128xi32, #tpu.memory_space<vmem>> -> memref<1x128xi32, #tpu.memory_space<vmem>>
      %dma_wait3A_137 = tpu.memref_squeeze %dma_wait3A_136 : memref<1x128xi32, #tpu.memory_space<vmem>> -> memref<128xi32, #tpu.memory_space<vmem>>
      %dma_wait3A_138 = arith.constant 0 : i32
      %dma_wait3A_139 = tpu.memref_slice %arg21[%dma_wait3A_138] : memref<10240xf32, #tpu.memory_space<vmem_shared>> -> memref<10240xf32, #tpu.memory_space<vmem_shared>>
      tpu.wait_indirect_dma semaphore(%arg20 : memref<!tpu.dma_semaphore, #tpu.memory_space<semaphore_mem>>) src(%arg12 : memref<128xf32, #tpu.memory_space<vmem>>) dst(%dma_wait3A_139 : memref<10240xf32, #tpu.memory_space<vmem_shared>>)
      %add3A_140 = arith.constant 4 : i32
      %add3A_141 = arith.addi %add3A_134, %add3A_140 : i32
      %lt3A_142 = arith.constant 40 : i32
      %lt3A_143 = arith.cmpi slt, %add3A_141, %lt3A_142 : i32
      %convert_element_type3A_144 = arith.extui %lt3A_143 : i1 to i32
      %cond3A_145 = arith.constant 0 : i32
      %cond3A_146 = arith.cmpi ne, %convert_element_type3A_144, %cond3A_145 : i32
      scf.if %cond3A_146 {
        %add3A_147 = arith.constant 4 : i32
        %add3A_148 = arith.addi %add3A_134, %add3A_147 : i32
        %dma_start3A_149 = arith.constant 0 : i32
        %dma_start3A_150 = tpu.memref_slice %arg7[%add3A_148, %dma_start3A_149] : memref<40x128xi32, #tpu.memory_space<vmem>> -> memref<1x128xi32, #tpu.memory_space<vmem>>
        %dma_start3A_151 = tpu.memref_squeeze %dma_start3A_150 : memref<1x128xi32, #tpu.memory_space<vmem>> -> memref<128xi32, #tpu.memory_space<vmem>>
        %dma_start3A_152 = arith.constant 0 : i32
        %dma_start3A_153 = tpu.memref_slice %arg22[%dma_start3A_152] : memref<10000xf32, #tpu.memory_space<vmem_shared>> -> memref<10000xf32, #tpu.memory_space<vmem_shared>>
        tpu.enqueue_indirect_dma source(%dma_start3A_153 : memref<10000xf32, #tpu.memory_space<vmem_shared>>) target(%arg12 : memref<128xf32, #tpu.memory_space<vmem>>) offsets(%dma_start3A_151 : memref<128xi32, #tpu.memory_space<vmem>>) semaphore(%arg16 : memref<!tpu.dma_semaphore, #tpu.memory_space<semaphore_mem>>)
      } else {
      }
    }
    %scan3A_36 = arith.constant 10 : i32
    %barrier3A_37 = arith.constant 0 : index
    tpu.barrier barrier_id(%barrier3A_37)
    %mul3A_38 = arith.constant 640 : i32
    %mul3A_39 = arith.muli %arg1, %mul3A_38 : i32
    %mul3A_40 = arith.constant 640 : i32
    %mul3A_41 = arith.muli %arg1, %mul3A_40 : i32
    "tpu.region"() ({
      %run_scoped3A = tpu.sem_alloc : memref<!tpu.dma_semaphore, #tpu.memory_space<semaphore_mem>>
      %dma_start3A_42 = tpu.memref_slice %arg6[%arg0, %mul3A_41] : memref<2x10240xf32, #tpu.memory_space<hbm>> -> memref<1x640xf32, #tpu.memory_space<hbm>>
      %dma_start3A_43 = tpu.memref_squeeze %dma_start3A_42 : memref<1x640xf32, #tpu.memory_space<hbm>> -> memref<640xf32, #tpu.memory_space<hbm>>
      %dma_start3A_44 = tpu.memref_slice %arg21[%mul3A_39] : memref<10240xf32, #tpu.memory_space<vmem_shared>> -> memref<640xf32, #tpu.memory_space<vmem_shared>>
      tpu.enqueue_dma source(%dma_start3A_44 : memref<640xf32, #tpu.memory_space<vmem_shared>>) target(%dma_start3A_43 : memref<640xf32, #tpu.memory_space<hbm>>) target_semaphore(%run_scoped3A : memref<!tpu.dma_semaphore, #tpu.memory_space<semaphore_mem>>)
      %dma_wait3A = tpu.memref_slice %arg6[%arg0, %mul3A_41] : memref<2x10240xf32, #tpu.memory_space<hbm>> -> memref<1x640xf32, #tpu.memory_space<hbm>>
      %dma_wait3A_45 = tpu.memref_squeeze %dma_wait3A : memref<1x640xf32, #tpu.memory_space<hbm>> -> memref<640xf32, #tpu.memory_space<hbm>>
      %dma_wait3A_46 = tpu.memref_slice %arg21[%mul3A_39] : memref<10240xf32, #tpu.memory_space<vmem_shared>> -> memref<640xf32, #tpu.memory_space<vmem_shared>>
      tpu.wait_dma2 semaphore(%run_scoped3A : memref<!tpu.dma_semaphore, #tpu.memory_space<semaphore_mem>>) src(%dma_wait3A_46 : memref<640xf32, #tpu.memory_space<vmem_shared>>) dst(%dma_wait3A_45 : memref<640xf32, #tpu.memory_space<hbm>>)
      tpu.yield
    }) : () -> ()
    return
  }
}

</mosaic_0001>

<sc_bundles>
// kernel: kernel.4.cloned.1.call-start
scs
__scs_entry_jumppad:
0x0: {  	(pc) =	sbr.rel $0x88, $3  }
0x1: {  	(tag) =	ssettag $0x0;
	lr =	simm.s32 $0x1  }
0x2: {  	[smem:$0x3F9E] =	sst lr;
	_ =	strace $0xD0000000  }
0x3: {  	_ = 	snop  }
0x4: {  	_ = 	snop  }
0x5: {  	_ = 	snop  }
0x6: {  	_ = 	snop  }
0x7: {  	_ = 	snop  }
__scs_overlays_trampoline_lowered:
0x8: {  	[smem:$0x3FAD] =	sst s0  }
0x9: {  	[smem:$0x3FAE] =	sst s1  }
0xa: {  	[smem:$0x3FAF] =	sst s2  }
0xb: {  	[smem:$0x3FB0] =	sst s3  }
0xc: {  	[smem:$0x3FB1] =	sst s4  }
0xd: {  	[smem:$0x3FB2] =	sst s5  }
0xe: {  	[smem:$0x3FB3] =	sst s6  }
0xf: {  	[smem:$0x3FB4] =	sst s7  }
0x10: {  	[smem:$0x3FB5] =	sst s8  }
0x11: {  	[smem:$0x3FB6] =	sst s9;
	s0 =	simm.s32 @!p0 $0x0  }
0x12: {  	s1 =	sld [smem:$0x3F9C];
	s0 =	simm.s32 @p0 $0x1  }
0x13: {  	[smem:$0x3FB7] =	sst s0;
	s0 =	simm.s32 @!p1 $0x0  }
0x14: {  	s2 =	sld [smem:$0x3F9B];
	s0 =	simm.s32 @p1 $0x1  }
0x15: {  	[smem:$0x3FB8] =	sst s0;
	s0 =	simm.s32 @!p2 $0x0  }
0x16: {  	s3 =	sld [smem:$0x3FDB];
	s0 =	simm.s32 @p2 $0x1  }
0x17: {  	s4 =	simm.s32 $0x1BF5;
	[smem:$0x3FBA] =	sst s0  }
0x18: {  	s0 =	sld [smem:$0x3F9D];
	_ =	swait.ge [sflag:s4], $0x0  }
0x19: {  	s7 =	sld [smem:$0x3F9E]  }
0x1a: {  	s8 =	sadd.s32 $0xFFFFE003, lr  }
0x1b: {  	s9 =	sadd.s32 $0xFFFFFEF7, lr;
	s5 =	simm.s32 $0xFFFFFFFF;
	p2 =	slt.u32 s8, $0xFFFFF086  }
0x1c: {  	p1 =	slt.u32 s9, $0xF7A;
	s5 =	simm.s32 @!p2 $0x0  }
0x1d: {  	s5 =	simm.s32 @p1 $0x1;
	p0 =	seq.s32 s7, s2  }
0x1e: {  	s7 =	smul.u32 @!p0 $0xF7A, s2;
	p2 =	seq.s32 @!p0 s5, $0x0  }
0x1f: {  	s9 =	smul.u32 $0xF7A, s1;
	s8 =	simm.s32 @!p0 $0x1BF5;
	p2 =	por !p2, p0  }
0x20: {  	[sflag:s8] =	ssyncset.s32 @!p0 $0xFFFFF086;
	s6 =	sadd.s32 @!p0 s3, s7;
	s7 =	simm.s32 @!p0 $0x108  }
0x21: {  	s3 =	sadd.s32 s3, s9;
	s6 =	sadd.s32 @!p0 $0x88, s6;
	s7 =	simm.s32 @p2 $0x1082  }
0x22: {  	[simem:s7], [sflag:s8] =	dma.local @!p0 [hbm:s6], $0xF7A  }
0x23: {  	s9 =	sor.u32 $0xD0000000, s2;
	s6 =	simm.s32 $0x108;
	_ =	swait.ge @!p0 [sflag:s8], $0x0  }
0x24: {  	s3 =	sadd.s32 $0x88, s3;
	s6 =	simm.s32 @!p1 $0x1082;
	[sflag:s4] =	ssyncset.s32 $0xFFFFF086  }
0x25: {  	[simem:s6], [sflag:s4] =	dma.local [hbm:s3], $0xF7A  }
0x26: {  	[smem:$0x3F9E] =	sst s1;
	(tag) =	ssettag s2;
	_ =	strace s9  }
0x27: {  	s1 =	sld [smem:$0x3FAE]  }
0x28: {  	s2 =	sld [smem:$0x3FAF]  }
0x29: {  	s4 =	sld [smem:$0x3FB1]  }
0x2a: {  	p0 =	seq.s32 s5, $0x0;
	s5 =	sld [smem:$0x3FB2]  }
0x2b: {  	s6 =	sld [smem:$0x3FB3]  }
0x2c: {  	s7 =	sld [smem:$0x3FB4]  }
0x2d: {  	s3 =	simm.s32 $0x108;
	s8 =	sld [smem:$0x3FB5]  }
0x2e: {  	s3 =	simm.s32 @!p0 $0x1082;
	s9 =	sld [smem:$0x3FB6]  }
0x2f: {  	lr =	sadd.s32 s0, s3;
	s0 =	sld [smem:$0x3FAD]  }
0x30: {  	s3 =	sld [smem:$0x3FB0]  }
0x31: {  	[smem:$0x3FB9] =	sst s10  }
0x32: {  	s10 =	sld [smem:$0x3FB7];
	_ =	sdelay $0x3  }
0x33: {  	p0 =	seq.s32 s10, $0x1;
	s10 =	sld [smem:$0x3FB9];
	_ =	sdelay $0x3  }
0x34: {  	[smem:$0x3FB9] =	sst s10  }
0x35: {  	s10 =	sld [smem:$0x3FB8];
	_ =	sdelay $0x3  }
0x36: {  	p1 =	seq.s32 s10, $0x1;
	s10 =	sld [smem:$0x3FB9];
	_ =	sdelay $0x3  }
0x37: {  	[smem:$0x3FB9] =	sst s10  }
0x38: {  	s10 =	sld [smem:$0x3FBA]  }
0x39: {  	_ = 	snop;
	(pc) =	sbr.ind lr, $3  }
0x3a: {  	_ = 	snop  }
0x3b: {  	_ = 	snop  }
0x3c: {  	p2 =	seq.s32 s10, $0x1;
	s10 =	sld [smem:$0x3FB9]  }
0x3d: {  	_ =	shalt  }
0x3e: {  	_ =	shalt  }
0x3f: {  	_ =	shalt  }
0x40: {  	_ =	shalt  }
0x41: {  	_ =	shalt  }
0x42: {  	_ =	shalt  }
0x43: {  	_ =	shalt  }
0x44: {  	_ =	shalt  }
0x45: {  	_ =	shalt  }
0x46: {  	_ =	shalt  }
0x47: {  	_ =	shalt  }
0x48: {  	_ =	shalt  }
0x49: {  	_ =	shalt  }
0x4a: {  	_ =	shalt  }
0x4b: {  	_ =	shalt  }
0x4c: {  	_ =	shalt  }
0x4d: {  	_ =	shalt  }
0x4e: {  	_ =	shalt  }
0x4f: {  	_ =	shalt  }
0x50: {  	_ =	shalt  }
0x51: {  	_ =	shalt  }
0x52: {  	_ =	shalt  }
0x53: {  	_ =	shalt  }
0x54: {  	_ =	shalt  }
0x55: {  	_ =	shalt  }
0x56: {  	_ =	shalt  }
0x57: {  	_ =	shalt  }
0x58: {  	_ =	shalt  }
0x59: {  	_ =	shalt  }
0x5a: {  	_ =	shalt  }
0x5b: {  	_ =	shalt  }
0x5c: {  	_ =	shalt  }
0x5d: {  	_ =	shalt  }
0x5e: {  	_ =	shalt  }
0x5f: {  	_ =	shalt  }
0x60: {  	_ =	shalt  }
0x61: {  	_ =	shalt  }
0x62: {  	_ =	shalt  }
0x63: {  	_ =	shalt  }
0x64: {  	_ =	shalt  }
0x65: {  	_ =	shalt  }
0x66: {  	_ =	shalt  }
0x67: {  	_ =	shalt  }
0x68: {  	_ =	shalt  }
0x69: {  	_ =	shalt  }
0x6a: {  	_ =	shalt  }
0x6b: {  	_ =	shalt  }
0x6c: {  	_ =	shalt  }
0x6d: {  	_ =	shalt  }
0x6e: {  	_ =	shalt  }
0x6f: {  	_ =	shalt  }
0x70: {  	_ =	shalt  }
0x71: {  	_ =	shalt  }
0x72: {  	_ =	shalt  }
0x73: {  	_ =	shalt  }
0x74: {  	_ =	shalt  }
0x75: {  	_ =	shalt  }
0x76: {  	_ =	shalt  }
0x77: {  	_ =	shalt  }
0x78: {  	_ =	shalt  }
0x79: {  	_ =	shalt  }
0x7a: {  	_ =	shalt  }
0x7b: {  	_ =	shalt  }
0x7c: {  	_ =	shalt  }
0x7d: {  	_ =	shalt  }
0x7e: {  	_ =	shalt  }
0x7f: {  	_ =	shalt  }
0x80: {  	_ =	shalt  }
0x81: {  	_ =	shalt  }
0x82: {  	_ =	shalt  }
0x83: {  	_ =	shalt  }
0x84: {  	_ =	shalt  }
0x85: {  	_ =	shalt  }
0x86: {  	_ =	shalt  }
0x87: {  	_ =	shalt  }
.Lfunc_end0:
.L_simem_size_0:
called_computation_lowered:
.L_overlay_start_0:
0x88: {  	s2 =	sld [smem:$0x3FD9]  }
0x89: {  	s3 =	sld [smem:$0x3FFE];
	_ =	sdelay $0x1  }
0x8a: {  	s1 =	srdreg.scid  }
0x8b: {  	s0 =	sand.u32 $0x1, s1  }
0x8c: {  	s17 =	sshll.u32 s0, $0xA;
	s2 =	sadd.s32 s3, s2  }
0x8d: {  	s2 =	sadd.s32 s2, s17  }
0x8e: {  	[smem:$0x3FC5] =	sst s2  }
0x8f: {  	_ = 	snop  }
0x90: {  	s2 =	sld [smem:$0x3FD0];
	(tm) =	ssettm $0x1  }
0x91: {  	s18 =	sld [smem:$0x3FFB];
	_ =	sdelay $0x3  }
0x92: {  	_ =	strace s18  }
0x93: {  	s3 =	sld [smem:$0x3FFC];
	_ =	sdelay $0x3  }
0x94: {  	_ =	strace s3  }
0x95: {  	s3 =	sld [smem:$0x3FFD];
	_ =	sdelay $0x3  }
0x96: {  	_ =	strace s3  }
0x97: {  	_ =	strace $0x8FFFFFFF  }
0x98: {  	s19 =	sld [smem:$0x3FDB];
	_ =	sdelay $0x1  }
0x99: {  	s4 =	simm.s32 $_scs_section_size  }
0x9a: {  	s5 =	simm.s32 $_size__tile_overlayer_lowered;
	s6 =	simm.s32 $_tile_overlayer_lowered  }
0x9b: {  	s22 =	simm.s32 $0x1BFF;
	s21 =	sshll.u32 s6, $0x1;
	s3 =	sadd.s32 s4, s19  }
0x9c: {  	s7 =	simm.s32 $0x0;
	s20 =	sshll.u32 s5, $0x1;
	s5 =	sadd.s32 s21, s3  }
0x9d: {  	[timem:s7], [sflag:s22] =	dma.local [hbm:s5], s20  }
0x9e: {  	_ =	swait.ge [sflag:s22], s20  }
0x9f: {  	s4 =	ssub.s32 $0x0, s20;
	[sflag:s22] =	ssyncset.done $0x0  }
0xa0: {  	[sflag:s22] =	ssyncadd.s32 s4;
	_ =	sdelay $0x1  }
0xa1: {  	s23 =	simm.s32 $0x1B8B  }
0xa2: {  	_ =	swait.ge [sflag:s23], $0x1  }
0xa3: {  	[sflag:s23] =	ssyncset.done $0x0  }
0xa4: {  	s25 =	simm.s32 $0x1B8E;
	s24 =	sld [smem:$0x3FFE];
	[sflag:s23] =	ssyncadd.s32 $0xFFFFFFFF  }
0xa5: {  	s26 =	simm.s32 $execute0_lowered;
	[smem:$0x3FD2] =	sst s25  }
0xa6: {  	s5 =	sshll.u32 s26, $0x1;
	_ =	strace $0x80000046;
	[dreg:$0x1] =	wrdreg $0xFFFFFFFF  }
0xa7: {  	s28 =	simm.s32 $_size_execute0_lowered;
	s3 =	sadd.s32 s3, s5;
	[dreg:$0x0] =	wrdreg $0x0  }
0xa8: {  	s5 =	sshll.u32 s28, $0x1;
	[dreg:$0x2] =	wrdreg s3  }
0xa9: {  	[dreg:$0x3] =	wrdreg s5  }
0xaa: {  	[dreg:$0x4] =	wrdreg $0xC0  }
0xab: {  	_ =	task [dreg:s7], $0x5FFFF  }
0xac: {  	[dreg:$0x1] =	wrdreg $0xFFFFFFFF  }
0xad: {  	[dreg:$0x0] =	wrdreg $0x60  }
0xae: {  	[dreg:$0x2] =	wrdreg s24  }
0xaf: {  	[dreg:$0x3] =	wrdreg s2  }
0xb0: {  	[dreg:$0x4] =	wrdreg $0x14800  }
0xb1: {  	[dreg:$0x5] =	wrdreg $0x9  }
0xb2: {  	_ =	task.clear_ibuf [dreg:s7], $0x6FFFF;
	_ =	strace $0x90000046  }
0xb3: {  	s29 =	simm.s32 $0x9;
	_ =	strace $0x80000048  }
0xb4: {  	_ =	swait.ge [sflag:s29], $0x1  }
0xb5: {  	[sflag:s29] =	ssyncadd.s32 $0xFFFFFFFF  }
0xb6: {  	_ =	strace $0x90000048  }
0xb7: {  	_ =	sfence  }
0xb8: {  	s30 =	sld [smem:$0x0];
	_ =	sdelay $0x2  }
0xb9: {  	s31 =	sshll.u32 s1, $0xD;
	s1 =	sshrl.u32 s1, $0x2  }
0xba: {  	s3 =	sand.u32 $0x4000, s31;
	s1 =	sadd.s32 s1, s30  }
0xbb: {  	s0 =	sor.u32 s3, s0;
	s1 =	sshll.u32 s1, $0x11  }
0xbc: {  	s0 =	sor.u32 s1, s0  }
0xbd: {  	s0 =	sadd.s32 $0x8F2B, s0  }
0xbe: {  	[sflag:s0] =	ssyncadd.remote.s32 $0x1  }
0xbf: {  	_ =	sfence.sel $0xFFFF  }
0xc0: {  	[dreg:$0x0] =	wrdreg $0xFFFFFFFF;
	(pc) =	sbr.abs _section_cstart, $3  }
0xc1: {  	[dreg:$0x1] =	wrdreg $0xFFFFFFFF  }
0xc2: {  	_ =	task.clear_ibuf [dreg:s7], $0x2FFFF;
	_ =	strace $0x9FFFFFFF  }
0xc3: {  	(tm) =	ssettm $0x7FFFFFFF  }
tec
execute0_lowered:
.L_overlay_start_1:
0x0: {  	(tag) =	ssettag $0x1  }
0x1: {  	s4 =	rddreg [dreg:$0x0]  }
0x2: {  	s0 =	rddreg [dreg:$0x1]  }
0x3: {  	s1 =	srdreg.scid;
	s24 =	stileid.u32  }
0x4: {  	s2 =	rddreg [dreg:$0x2];
	s1 =	sand.u32 $0x1, s1;
	s5 =	smul.u32 $0x500, s24  }
0x5: {  	[dreg:$0x4] =	wrdreg s0;
	s3 =	sshll.u32 s24, $0x1;
	s6 =	sshll.u32 s1, $0x7  }
0x6: {  	s7 =	sor.u32 s1, s3;
	s3 =	simm.s32 $0x0;
	s5 =	sor.u32 s6, s5  }
0x7: {  	s25 =	smul.u32 $0x280, s7;
	[smem:$0x7FF] =	sst s3;
	s6 =	simm.s32 $0x180  }
0x8: {  	s7 =	simm.s32 $0x200;
	_ =	strace $0x80000047;
	[dreg:$0x8] =	wrdreg s6  }
0x9: {  	s8 =	simm.s32 $0x280;
	[dreg:$0x9] =	wrdreg s7  }
0xa: {  	s9 =	simm.s32 $0x300;
	[dreg:$0xa] =	wrdreg s8  }
0xb: {  	s10 =	simm.s32 $0x380;
	[dreg:$0xb] =	wrdreg s9  }
0xc: {  	s11 =	simm.s32 $0x400;
	[dreg:$0xc] =	wrdreg s10  }
0xd: {  	s12 =	simm.s32 $0x480;
	[dreg:$0xd] =	wrdreg s11  }
0xe: {  	s13 =	simm.s32 $0x500;
	[dreg:$0xe] =	wrdreg s12  }
0xf: {  	s14 =	simm.s32 $0x580;
	[dreg:$0xf] =	wrdreg s13  }
0x10: {  	s15 =	simm.s32 $0x600;
	[dreg:$0x10] =	wrdreg s14  }
0x11: {  	s16 =	simm.s32 $0x680;
	[dreg:$0x11] =	wrdreg s15  }
0x12: {  	s17 =	simm.s32 $0x700;
	[dreg:$0x12] =	wrdreg s16  }
0x13: {  	s18 =	simm.s32 $0x780;
	[dreg:$0x13] =	wrdreg s17  }
0x14: {  	s20 =	simm.s32 $0x800;
	[dreg:$0x14] =	wrdreg s18  }
0x15: {  	s21 =	simm.s32 $0x880;
	[dreg:$0x15] =	wrdreg s20  }
0x16: {  	s22 =	simm.s32 $0x900;
	s19 =	smul.u32 $0xA00, s24;
	[dreg:$0x16] =	wrdreg s21  }
0x17: {  	s23 =	sshll.u32 s24, $0x6;
	s24 =	simm.s32 $0x980;
	[dreg:$0x17] =	wrdreg s22  }
0x18: {  	s5 =	sshrl.u32 s5, $0x3;
	[dreg:$0x18] =	wrdreg s24;
	s8 =	simm.s32 $0xA00  }
0x19: {  	s5 =	sadd.s32 s5, s4;
	s4 =	sadd.s32 s4, s25;
	s25 =	rddreg [dreg:$0x4]  }
0x1a: {  	[dreg:$0x19] =	wrdreg s8;
	s26 =	sadd.s32 $0xA000, s5;
	s5 =	simm.s32 $0x100  }
0x1b: {  	[dreg:$0x7] =	wrdreg s5;
	s5 =	sshrl.u32 s19, $0x2  }
0x1c: {  	[dreg:$0x5] =	wrdreg s4;
	s4 =	sor.u32 $0x1C02, s23;
	s5 =	sadd.s32 s5, s2  }
0x1d: {  	[dreg:$0x6] =	wrdreg s26;
	s6 =	sshrl.u32 s5, $0x3;
	s5 =	simm.s32 $0x2  }
0x1e: {  	[spmem:s6], [sflag:s4] =	dma.local [hbm:s25], $0x50  }
0x1f: {  	_ =	swait.ge [sflag:s5], $0x50  }
0x20: {  	[sflag:s5] =	ssyncset.done $0x0  }
0x21: {  	s26 =	rddreg [dreg:$0x5];
	[sflag:s5] =	ssyncadd.s32 $0xFFFFFFB0  }
0x22: {  	[tilespmem:s3], [sflag:$0x2] =	stream.linear.gather [hbm4b:s26+s3], $0x1400, $0x38;
	[tilespmem:$0x1700] =	vst v63  }
0x23: {  	_ =	swait.ge [sflag:s5], $0x1400  }
0x24: {  	[sflag:s5] =	ssyncset.done $0x0  }
0x25: {  	v0 =	vimm.f32 $1.000000000e+00;
	[sflag:s5] =	ssyncadd.s32 $0xFFFFEC00  }
0x26: {  	[tilespmem:$0x1470] =	vst v0  }
0x27: {  	[tilespmem:$0x1460] =	vst v0  }
0x28: {  	[tilespmem:$0x1450] =	vst v0  }
0x29: {  	[tilespmem:$0x1440] =	vst v0  }
0x2a: {  	[tilespmem:$0x1430] =	vst v0  }
0x2b: {  	[tilespmem:$0x1420] =	vst v0  }
0x2c: {  	[tilespmem:$0x1400] =	vst v0  }
0x2d: {  	[tilespmem:$0x1410] =	vst v0  }
0x2e: {  	s7 =	simm.s32 $0x80;
	s8 =	simm.s32 $0x1400;
	[bflag:$0x0] =	sbarrier.arrive $0xFFFF  }
0x2f: {  	[spmem:s2] =	stream.indirect.scatter.add.f32 [tilespmem:s8], [sflag:$0x1], $0x1, s3, s7, $0xb8;
	[tilespmem:$0x1700] =	vst v63  }
0x30: {  	_ = 	snop  }
0x31: {  	[spmem:s2] =	stream.indirect.scatter.add.f32 [tilespmem:s8], [sflag:$0x1], $0x1, s7, s7, $0xb8;
	[tilespmem:$0x1700] =	vst v63  }
0x32: {  	s9 =	rddreg [dreg:$0x7]  }
0x33: {  	[spmem:s2] =	stream.indirect.scatter.add.f32 [tilespmem:s8], [sflag:$0x1], $0x1, s9, s7, $0xb8;
	[tilespmem:$0x1700] =	vst v63  }
0x34: {  	s10 =	rddreg [dreg:$0x8]  }
0x35: {  	[spmem:s2] =	stream.indirect.scatter.add.f32 [tilespmem:s8], [sflag:$0x1], $0x1, s10, s7, $0xb8;
	[tilespmem:$0x1700] =	vst v63  }
0x36: {  	s0 =	rddreg [dreg:$0x9]  }
0x37: {  	[spmem:s2] =	stream.indirect.scatter.add.f32 [tilespmem:s8], [sflag:$0x1], $0x1, s0, s7, $0xb8;
	[tilespmem:$0x1700] =	vst v63  }
0x38: {  	s11 =	rddreg [dreg:$0xa]  }
0x39: {  	[spmem:s2] =	stream.indirect.scatter.add.f32 [tilespmem:s8], [sflag:$0x1], $0x1, s11, s7, $0xb8;
	[tilespmem:$0x1700] =	vst v63  }
0x3a: {  	s12 =	rddreg [dreg:$0xb]  }
0x3b: {  	[spmem:s2] =	stream.indirect.scatter.add.f32 [tilespmem:s8], [sflag:$0x1], $0x1, s12, s7, $0xb8;
	[tilespmem:$0x1700] =	vst v63  }
0x3c: {  	s13 =	rddreg [dreg:$0xc];
	s9 =	simm.s32 $0x1  }
0x3d: {  	[spmem:s2] =	stream.indirect.scatter.add.f32 [tilespmem:s8], [sflag:$0x1], $0x1, s13, s7, $0xb8;
	[tilespmem:$0x1700] =	vst v63  }
0x3e: {  	_ =	swait.ge [sflag:s9], $0x80  }
0x3f: {  	[sflag:s9] =	ssyncset.done $0x0  }
0x40: {  	[sflag:s9] =	ssyncadd.s32 $0xFFFFFF80  }
0x41: {  	_ =	swait.ge [sflag:s9], $0x80  }
0x42: {  	[sflag:s9] =	ssyncset.done $0x0  }
0x43: {  	[sflag:s9] =	ssyncadd.s32 $0xFFFFFF80  }
0x44: {  	_ =	swait.ge [sflag:s9], $0x80  }
0x45: {  	[sflag:s9] =	ssyncset.done $0x0  }
0x46: {  	[sflag:s9] =	ssyncadd.s32 $0xFFFFFF80  }
0x47: {  	_ =	swait.ge [sflag:s9], $0x80  }
0x48: {  	[sflag:s9] =	ssyncset.done $0x0  }
0x49: {  	[sflag:s9] =	ssyncadd.s32 $0xFFFFFF80  }
0x4a: {  	_ =	swait.ge [sflag:s9], $0x80  }
0x4b: {  	[sflag:s9] =	ssyncset.done $0x0  }
0x4c: {  	[sflag:s9] =	ssyncadd.s32 $0xFFFFFF80  }
0x4d: {  	_ =	swait.ge [sflag:s9], $0x80  }
0x4e: {  	[sflag:s9] =	ssyncset.done $0x0  }
0x4f: {  	[sflag:s9] =	ssyncadd.s32 $0xFFFFFF80  }
0x50: {  	_ =	swait.ge [sflag:s9], $0x80  }
0x51: {  	[sflag:s9] =	ssyncset.done $0x0  }
0x52: {  	[sflag:s9] =	ssyncadd.s32 $0xFFFFFF80  }
0x53: {  	_ =	swait.ge [sflag:s9], $0x80  }
0x54: {  	[sflag:s9] =	ssyncset.done $0x0  }
0x55: {  	s14 =	rddreg [dreg:$0xd];
	[sflag:s9] =	ssyncadd.s32 $0xFFFFFF80  }
0x56: {  	[spmem:s2] =	stream.indirect.scatter.add.f32 [tilespmem:s8], [sflag:$0x1], $0x1, s14, s7, $0xb8;
	[tilespmem:$0x1700] =	vst v63  }
0x57: {  	s11 =	rddreg [dreg:$0xe]  }
0x58: {  	[spmem:s2] =	stream.indirect.scatter.add.f32 [tilespmem:s8], [sflag:$0x1], $0x1, s11, s7, $0xb8;
	[tilespmem:$0x1700] =	vst v63  }
0x59: {  	s15 =	rddreg [dreg:$0xf]  }
0x5a: {  	[spmem:s2] =	stream.indirect.scatter.add.f32 [tilespmem:s8], [sflag:$0x1], $0x1, s15, s7, $0xb8;
	[tilespmem:$0x1700] =	vst v63  }
0x5b: {  	s16 =	rddreg [dreg:$0x10]  }
0x5c: {  	[spmem:s2] =	stream.indirect.scatter.add.f32 [tilespmem:s8], [sflag:$0x1], $0x1, s16, s7, $0xb8;
	[tilespmem:$0x1700] =	vst v63  }
0x5d: {  	s17 =	rddreg [dreg:$0x11]  }
0x5e: {  	[spmem:s2] =	stream.indirect.scatter.add.f32 [tilespmem:s8], [sflag:$0x1], $0x1, s17, s7, $0xb8;
	[tilespmem:$0x1700] =	vst v63  }
0x5f: {  	s18 =	rddreg [dreg:$0x12]  }
0x60: {  	[spmem:s2] =	stream.indirect.scatter.add.f32 [tilespmem:s8], [sflag:$0x1], $0x1, s18, s7, $0xb8;
	[tilespmem:$0x1700] =	vst v63  }
0x61: {  	s19 =	rddreg [dreg:$0x13]  }
0x62: {  	[spmem:s2] =	stream.indirect.scatter.add.f32 [tilespmem:s8], [sflag:$0x1], $0x1, s19, s7, $0xb8;
	[tilespmem:$0x1700] =	vst v63  }
0x63: {  	s20 =	rddreg [dreg:$0x14]  }
0x64: {  	[spmem:s2] =	stream.indirect.scatter.add.f32 [tilespmem:s8], [sflag:$0x1], $0x1, s20, s7, $0xb8;
	[tilespmem:$0x1700] =	vst v63  }
0x65: {  	_ =	swait.ge [sflag:s9], $0x80  }
0x66: {  	[sflag:s9] =	ssyncset.done $0x0  }
0x67: {  	[sflag:s9] =	ssyncadd.s32 $0xFFFFFF80  }
0x68: {  	_ =	swait.ge [sflag:s9], $0x80  }
0x69: {  	[sflag:s9] =	ssyncset.done $0x0  }
0x6a: {  	[sflag:s9] =	ssyncadd.s32 $0xFFFFFF80  }
0x6b: {  	_ =	swait.ge [sflag:s9], $0x80  }
0x6c: {  	[sflag:s9] =	ssyncset.done $0x0  }
0x6d: {  	[sflag:s9] =	ssyncadd.s32 $0xFFFFFF80  }
0x6e: {  	_ =	swait.ge [sflag:s9], $0x80  }
0x6f: {  	[sflag:s9] =	ssyncset.done $0x0  }
0x70: {  	[sflag:s9] =	ssyncadd.s32 $0xFFFFFF80  }
0x71: {  	_ =	swait.ge [sflag:s9], $0x80  }
0x72: {  	[sflag:s9] =	ssyncset.done $0x0  }
0x73: {  	[sflag:s9] =	ssyncadd.s32 $0xFFFFFF80  }
0x74: {  	_ =	swait.ge [sflag:s9], $0x80  }
0x75: {  	[sflag:s9] =	ssyncset.done $0x0  }
0x76: {  	[sflag:s9] =	ssyncadd.s32 $0xFFFFFF80  }
0x77: {  	_ =	swait.ge [sflag:s9], $0x80  }
0x78: {  	[sflag:s9] =	ssyncset.done $0x0  }
0x79: {  	[sflag:s9] =	ssyncadd.s32 $0xFFFFFF80  }
0x7a: {  	_ =	swait.ge [sflag:s9], $0x80  }
0x7b: {  	[sflag:s9] =	ssyncset.done $0x0  }
0x7c: {  	s21 =	rddreg [dreg:$0x15];
	[sflag:s9] =	ssyncadd.s32 $0xFFFFFF80  }
0x7d: {  	[spmem:s2] =	stream.indirect.scatter.add.f32 [tilespmem:s8], [sflag:$0x1], $0x1, s21, s7, $0xb8;
	[tilespmem:$0x1700] =	vst v63  }
0x7e: {  	s22 =	rddreg [dreg:$0x16]  }
0x7f: {  	[spmem:s2] =	stream.indirect.scatter.add.f32 [tilespmem:s8], [sflag:$0x1], $0x1, s22, s7, $0xb8;
	[tilespmem:$0x1700] =	vst v63  }
0x80: {  	s23 =	rddreg [dreg:$0x17]  }
0x81: {  	[spmem:s2] =	stream.indirect.scatter.add.f32 [tilespmem:s8], [sflag:$0x1], $0x1, s23, s7, $0xb8;
	[tilespmem:$0x1700] =	vst v63  }
0x82: {  	s24 =	rddreg [dreg:$0x18]  }
0x83: {  	[spmem:s2] =	stream.indirect.scatter.add.f32 [tilespmem:s8], [sflag:$0x1], $0x1, s24, s7, $0xb8;
	[tilespmem:$0x1700] =	vst v63  }
0x84: {  	s25 =	rddreg [dreg:$0x19]  }
0x85: {  	[spmem:s2] =	stream.indirect.scatter.add.f32 [tilespmem:s8], [sflag:$0x1], $0x1, s25, s7, $0xb8;
	[tilespmem:$0x1700] =	vst v63  }
0x86: {  	s26 =	simm.s32 $0xA80  }
0x87: {  	[spmem:s2] =	stream.indirect.scatter.add.f32 [tilespmem:s8], [sflag:$0x1], $0x1, s26, s7, $0xb8;
	[tilespmem:$0x1700] =	vst v63  }
0x88: {  	s11 =	simm.s32 $0xB00  }
0x89: {  	[spmem:s2] =	stream.indirect.scatter.add.f32 [tilespmem:s8], [sflag:$0x1], $0x1, s11, s7, $0xb8;
	[tilespmem:$0x1700] =	vst v63  }
0x8a: {  	s12 =	simm.s32 $0xB80  }
0x8b: {  	[spmem:s2] =	stream.indirect.scatter.add.f32 [tilespmem:s8], [sflag:$0x1], $0x1, s12, s7, $0xb8;
	[tilespmem:$0x1700] =	vst v63  }
0x8c: {  	_ =	swait.ge [sflag:s9], $0x80  }
0x8d: {  	[sflag:s9] =	ssyncset.done $0x0  }
0x8e: {  	[sflag:s9] =	ssyncadd.s32 $0xFFFFFF80  }
0x8f: {  	_ =	swait.ge [sflag:s9], $0x80  }
0x90: {  	[sflag:s9] =	ssyncset.done $0x0  }
0x91: {  	[sflag:s9] =	ssyncadd.s32 $0xFFFFFF80  }
0x92: {  	_ =	swait.ge [sflag:s9], $0x80  }
0x93: {  	[sflag:s9] =	ssyncset.done $0x0  }
0x94: {  	[sflag:s9] =	ssyncadd.s32 $0xFFFFFF80  }
0x95: {  	_ =	swait.ge [sflag:s9], $0x80  }
0x96: {  	[sflag:s9] =	ssyncset.done $0x0  }
0x97: {  	[sflag:s9] =	ssyncadd.s32 $0xFFFFFF80  }
0x98: {  	_ =	swait.ge [sflag:s9], $0x80  }
0x99: {  	[sflag:s9] =	ssyncset.done $0x0  }
0x9a: {  	[sflag:s9] =	ssyncadd.s32 $0xFFFFFF80  }
0x9b: {  	_ =	swait.ge [sflag:s9], $0x80  }
0x9c: {  	[sflag:s9] =	ssyncset.done $0x0  }
0x9d: {  	[sflag:s9] =	ssyncadd.s32 $0xFFFFFF80  }
0x9e: {  	_ =	swait.ge [sflag:s9], $0x80  }
0x9f: {  	[sflag:s9] =	ssyncset.done $0x0  }
0xa0: {  	[sflag:s9] =	ssyncadd.s32 $0xFFFFFF80  }
0xa1: {  	_ =	swait.ge [sflag:s9], $0x80  }
0xa2: {  	[sflag:s9] =	ssyncset.done $0x0  }
0xa3: {  	s13 =	simm.s32 $0xC00;
	[sflag:s9] =	ssyncadd.s32 $0xFFFFFF80  }
0xa4: {  	[spmem:s2] =	stream.indirect.scatter.add.f32 [tilespmem:s8], [sflag:$0x1], $0x1, s13, s7, $0xb8;
	[tilespmem:$0x1700] =	vst v63  }
0xa5: {  	s14 =	simm.s32 $0xC80  }
0xa6: {  	[spmem:s2] =	stream.indirect.scatter.add.f32 [tilespmem:s8], [sflag:$0x1], $0x1, s14, s7, $0xb8;
	[tilespmem:$0x1700] =	vst v63  }
0xa7: {  	s15 =	simm.s32 $0xD00  }
0xa8: {  	[spmem:s2] =	stream.indirect.scatter.add.f32 [tilespmem:s8], [sflag:$0x1], $0x1, s15, s7, $0xb8;
	[tilespmem:$0x1700] =	vst v63  }
0xa9: {  	s16 =	simm.s32 $0xD80  }
0xaa: {  	[spmem:s2] =	stream.indirect.scatter.add.f32 [tilespmem:s8], [sflag:$0x1], $0x1, s16, s7, $0xb8;
	[tilespmem:$0x1700] =	vst v63  }
0xab: {  	s17 =	simm.s32 $0xE00  }
0xac: {  	[spmem:s2] =	stream.indirect.scatter.add.f32 [tilespmem:s8], [sflag:$0x1], $0x1, s17, s7, $0xb8;
	[tilespmem:$0x1700] =	vst v63  }
0xad: {  	s18 =	simm.s32 $0xE80  }
0xae: {  	[spmem:s2] =	stream.indirect.scatter.add.f32 [tilespmem:s8], [sflag:$0x1], $0x1, s18, s7, $0xb8;
	[tilespmem:$0x1700] =	vst v63  }
0xaf: {  	s19 =	simm.s32 $0xF00  }
0xb0: {  	[spmem:s2] =	stream.indirect.scatter.add.f32 [tilespmem:s8], [sflag:$0x1], $0x1, s19, s7, $0xb8;
	[tilespmem:$0x1700] =	vst v63  }
0xb1: {  	s20 =	simm.s32 $0xF80  }
0xb2: {  	[spmem:s2] =	stream.indirect.scatter.add.f32 [tilespmem:s8], [sflag:$0x1], $0x1, s20, s7, $0xb8;
	[tilespmem:$0x1700] =	vst v63  }
0xb3: {  	_ =	swait.ge [sflag:s9], $0x80  }
0xb4: {  	[sflag:s9] =	ssyncset.done $0x0  }
0xb5: {  	[sflag:s9] =	ssyncadd.s32 $0xFFFFFF80  }
0xb6: {  	_ =	swait.ge [sflag:s9], $0x80  }
0xb7: {  	[sflag:s9] =	ssyncset.done $0x0  }
0xb8: {  	[sflag:s9] =	ssyncadd.s32 $0xFFFFFF80  }
0xb9: {  	_ =	swait.ge [sflag:s9], $0x80  }
0xba: {  	[sflag:s9] =	ssyncset.done $0x0  }
0xbb: {  	[sflag:s9] =	ssyncadd.s32 $0xFFFFFF80  }
0xbc: {  	_ =	swait.ge [sflag:s9], $0x80  }
0xbd: {  	[sflag:s9] =	ssyncset.done $0x0  }
0xbe: {  	[sflag:s9] =	ssyncadd.s32 $0xFFFFFF80  }
0xbf: {  	_ =	swait.ge [sflag:s9], $0x80  }
0xc0: {  	[sflag:s9] =	ssyncset.done $0x0  }
0xc1: {  	[sflag:s9] =	ssyncadd.s32 $0xFFFFFF80  }
0xc2: {  	_ =	swait.ge [sflag:s9], $0x80  }
0xc3: {  	[sflag:s9] =	ssyncset.done $0x0  }
0xc4: {  	[sflag:s9] =	ssyncadd.s32 $0xFFFFFF80  }
0xc5: {  	_ =	swait.ge [sflag:s9], $0x80  }
0xc6: {  	[sflag:s9] =	ssyncset.done $0x0  }
0xc7: {  	[sflag:s9] =	ssyncadd.s32 $0xFFFFFF80  }
0xc8: {  	_ =	swait.ge [sflag:s9], $0x80  }
0xc9: {  	[sflag:s9] =	ssyncset.done $0x0  }
0xca: {  	s21 =	simm.s32 $0x1000;
	[sflag:s9] =	ssyncadd.s32 $0xFFFFFF80  }
0xcb: {  	[spmem:s2] =	stream.indirect.scatter.add.f32 [tilespmem:s8], [sflag:$0x1], $0x1, s21, s7, $0xb8;
	[tilespmem:$0x1700] =	vst v63  }
0xcc: {  	s22 =	simm.s32 $0x1080  }
0xcd: {  	[spmem:s2] =	stream.indirect.scatter.add.f32 [tilespmem:s8], [sflag:$0x1], $0x1, s22, s7, $0xb8;
	[tilespmem:$0x1700] =	vst v63  }
0xce: {  	s23 =	simm.s32 $0x1100  }
0xcf: {  	[spmem:s2] =	stream.indirect.scatter.add.f32 [tilespmem:s8], [sflag:$0x1], $0x1, s23, s7, $0xb8;
	[tilespmem:$0x1700] =	vst v63  }
0xd0: {  	s24 =	simm.s32 $0x1180  }
0xd1: {  	[spmem:s2] =	stream.indirect.scatter.add.f32 [tilespmem:s8], [sflag:$0x1], $0x1, s24, s7, $0xb8;
	[tilespmem:$0x1700] =	vst v63  }
0xd2: {  	s25 =	simm.s32 $0x1200  }
0xd3: {  	[spmem:s2] =	stream.indirect.scatter.add.f32 [tilespmem:s8], [sflag:$0x1], $0x1, s25, s7, $0xb8;
	[tilespmem:$0x1700] =	vst v63  }
0xd4: {  	s26 =	simm.s32 $0x1280  }
0xd5: {  	[spmem:s2] =	stream.indirect.scatter.add.f32 [tilespmem:s8], [sflag:$0x1], $0x1, s26, s7, $0xb8;
	[tilespmem:$0x1700] =	vst v63  }
0xd6: {  	s28 =	simm.s32 $0x1300  }
0xd7: {  	[spmem:s2] =	stream.indirect.scatter.add.f32 [tilespmem:s8], [sflag:$0x1], $0x1, s28, s7, $0xb8;
	[tilespmem:$0x1700] =	vst v63  }
0xd8: {  	s29 =	simm.s32 $0x1380  }
0xd9: {  	[spmem:s2] =	stream.indirect.scatter.add.f32 [tilespmem:s8], [sflag:$0x1], $0x1, s29, s7, $0xb8;
	[tilespmem:$0x1700] =	vst v63  }
0xda: {  	_ =	swait.ge [sflag:s9], $0x80  }
0xdb: {  	[sflag:s9] =	ssyncset.done $0x0  }
0xdc: {  	[sflag:s9] =	ssyncadd.s32 $0xFFFFFF80  }
0xdd: {  	_ =	swait.ge [sflag:s9], $0x80  }
0xde: {  	[sflag:s9] =	ssyncset.done $0x0  }
0xdf: {  	[sflag:s9] =	ssyncadd.s32 $0xFFFFFF80  }
0xe0: {  	_ =	swait.ge [sflag:s9], $0x80  }
0xe1: {  	[sflag:s9] =	ssyncset.done $0x0  }
0xe2: {  	[sflag:s9] =	ssyncadd.s32 $0xFFFFFF80  }
0xe3: {  	_ =	swait.ge [sflag:s9], $0x80  }
0xe4: {  	[sflag:s9] =	ssyncset.done $0x0  }
0xe5: {  	[sflag:s9] =	ssyncadd.s32 $0xFFFFFF80  }
0xe6: {  	_ =	swait.ge [sflag:s9], $0x80  }
0xe7: {  	s1 =	ssub.s32 $0x2, s1;
	[sflag:s9] =	ssyncset.done $0x0  }
0xe8: {  	s30 =	sshrl.u32 s1, $0x1;
	[sflag:s9] =	ssyncadd.s32 $0xFFFFFF80  }
0xe9: {  	s1 =	ssub.s32 s1, s30;
	_ =	swait.ge [sflag:s9], $0x80  }
0xea: {  	s1 =	smax.u32 s1, $0x1;
	[sflag:s9] =	ssyncset.done $0x0  }
0xeb: {  	p0 =	sne.s32 s1, $0x1;
	[sflag:s9] =	ssyncadd.s32 $0xFFFFFF80  }
.Ltmp0:
0xec: {  	_ =	swait.ge [sflag:s9], $0x80;
	(pc) =	sbr.rel @!p0 .LBB2_2-.Ltmp0, $4  }
0xed: {  	[sflag:s9] =	ssyncset.done $0x0  }
0xee: {  	[sflag:s9] =	ssyncadd.s32 $0xFFFFFF80  }
0xef: {  	s31 =	simm.s32 $0x10;
	_ =	swait.ge [sflag:s9], $0x80  }
0xf0: {  	s30 =	simm.s32 $0x20;
	s1 =	sadd.s32 $0xFFFFFFFF, s1;
	[sflag:s9] =	ssyncset.done $0x0  }
.LBB2_1:
0xf1: {  	[sflag:s9] =	ssyncadd.s32 $0xFFFFFF80  }
0xf2: {  	[bflag:$0x0] =	sbarrier.arrive $0xFFFF  }
0xf3: {  	s0 =	rddreg [dreg:$0x6]  }
0xf4: {  	[hbm:s0@s30], [sflag:s4] =	dma.strided [spmem:s6@s31], $0x50, s9, $0x10   }
0xf5: {  	_ =	swait.ge [sflag:s5], $0x50  }
0xf6: {  	[sflag:s5] =	ssyncset.done $0x0  }
0xf7: {  	s10 =	rddreg [dreg:$0x4];
	[sflag:s5] =	ssyncadd.s32 $0xFFFFFFB0  }
0xf8: {  	[spmem:s6], [sflag:s4] =	dma.local [hbm:s10], $0x50  }
0xf9: {  	_ =	swait.ge [sflag:s5], $0x50  }
0xfa: {  	[sflag:s5] =	ssyncset.done $0x0  }
0xfb: {  	s10 =	rddreg [dreg:$0x5];
	[sflag:s5] =	ssyncadd.s32 $0xFFFFFFB0  }
0xfc: {  	[tilespmem:s3], [sflag:$0x2] =	stream.linear.gather [hbm4b:s10+s3], $0x1400, $0x38;
	[tilespmem:$0x1700] =	vst v63  }
0xfd: {  	_ =	swait.ge [sflag:s5], $0x1400  }
0xfe: {  	[sflag:s5] =	ssyncset.done $0x0  }
0xff: {  	[sflag:s5] =	ssyncadd.s32 $0xFFFFEC00  }
0x100: {  	[tilespmem:$0x1470] =	vst v0  }
0x101: {  	[tilespmem:$0x1460] =	vst v0  }
0x102: {  	[tilespmem:$0x1450] =	vst v0  }
0x103: {  	[tilespmem:$0x1440] =	vst v0  }
0x104: {  	[tilespmem:$0x1430] =	vst v0  }
0x105: {  	[tilespmem:$0x1420] =	vst v0  }
0x106: {  	[tilespmem:$0x1400] =	vst v0  }
0x107: {  	[tilespmem:$0x1410] =	vst v0  }
0x108: {  	[bflag:$0x0] =	sbarrier.arrive $0xFFFF  }
0x109: {  	[spmem:s2] =	stream.indirect.scatter.add.f32 [tilespmem:s8], [sflag:$0x1], $0x1, s3, s7, $0xb8;
	[tilespmem:$0x1700] =	vst v63  }
0x10a: {  	_ = 	snop  }
0x10b: {  	[spmem:s2] =	stream.indirect.scatter.add.f32 [tilespmem:s8], [sflag:$0x1], $0x1, s7, s7, $0xb8;
	[tilespmem:$0x1700] =	vst v63  }
0x10c: {  	s0 =	rddreg [dreg:$0x7]  }
0x10d: {  	[spmem:s2] =	stream.indirect.scatter.add.f32 [tilespmem:s8], [sflag:$0x1], $0x1, s0, s7, $0xb8;
	[tilespmem:$0x1700] =	vst v63  }
0x10e: {  	s10 =	rddreg [dreg:$0x8]  }
0x10f: {  	[spmem:s2] =	stream.indirect.scatter.add.f32 [tilespmem:s8], [sflag:$0x1], $0x1, s10, s7, $0xb8;
	[tilespmem:$0x1700] =	vst v63  }
0x110: {  	s0 =	rddreg [dreg:$0x9]  }
0x111: {  	[spmem:s2] =	stream.indirect.scatter.add.f32 [tilespmem:s8], [sflag:$0x1], $0x1, s0, s7, $0xb8;
	[tilespmem:$0x1700] =	vst v63  }
0x112: {  	s10 =	rddreg [dreg:$0xa]  }
0x113: {  	[spmem:s2] =	stream.indirect.scatter.add.f32 [tilespmem:s8], [sflag:$0x1], $0x1, s10, s7, $0xb8;
	[tilespmem:$0x1700] =	vst v63  }
0x114: {  	s0 =	rddreg [dreg:$0xb]  }
0x115: {  	[spmem:s2] =	stream.indirect.scatter.add.f32 [tilespmem:s8], [sflag:$0x1], $0x1, s0, s7, $0xb8;
	[tilespmem:$0x1700] =	vst v63  }
0x116: {  	s10 =	rddreg [dreg:$0xc]  }
0x117: {  	[spmem:s2] =	stream.indirect.scatter.add.f32 [tilespmem:s8], [sflag:$0x1], $0x1, s10, s7, $0xb8;
	[tilespmem:$0x1700] =	vst v63  }
0x118: {  	_ =	swait.ge [sflag:s9], $0x80  }
0x119: {  	[sflag:s9] =	ssyncset.done $0x0  }
0x11a: {  	[sflag:s9] =	ssyncadd.s32 $0xFFFFFF80  }
0x11b: {  	_ =	swait.ge [sflag:s9], $0x80  }
0x11c: {  	[sflag:s9] =	ssyncset.done $0x0  }
0x11d: {  	[sflag:s9] =	ssyncadd.s32 $0xFFFFFF80  }
0x11e: {  	_ =	swait.ge [sflag:s9], $0x80  }
0x11f: {  	[sflag:s9] =	ssyncset.done $0x0  }
0x120: {  	[sflag:s9] =	ssyncadd.s32 $0xFFFFFF80  }
0x121: {  	_ =	swait.ge [sflag:s9], $0x80  }
0x122: {  	[sflag:s9] =	ssyncset.done $0x0  }
0x123: {  	[sflag:s9] =	ssyncadd.s32 $0xFFFFFF80  }
0x124: {  	_ =	swait.ge [sflag:s9], $0x80  }
0x125: {  	[sflag:s9] =	ssyncset.done $0x0  }
0x126: {  	[sflag:s9] =	ssyncadd.s32 $0xFFFFFF80  }
0x127: {  	_ =	swait.ge [sflag:s9], $0x80  }
0x128: {  	[sflag:s9] =	ssyncset.done $0x0  }
0x129: {  	[sflag:s9] =	ssyncadd.s32 $0xFFFFFF80  }
0x12a: {  	_ =	swait.ge [sflag:s9], $0x80  }
0x12b: {  	[sflag:s9] =	ssyncset.done $0x0  }
0x12c: {  	[sflag:s9] =	ssyncadd.s32 $0xFFFFFF80  }
0x12d: {  	_ =	swait.ge [sflag:s9], $0x80  }
0x12e: {  	[sflag:s9] =	ssyncset.done $0x0  }
0x12f: {  	s0 =	rddreg [dreg:$0xd];
	[sflag:s9] =	ssyncadd.s32 $0xFFFFFF80  }
0x130: {  	[spmem:s2] =	stream.indirect.scatter.add.f32 [tilespmem:s8], [sflag:$0x1], $0x1, s0, s7, $0xb8;
	[tilespmem:$0x1700] =	vst v63  }
0x131: {  	s10 =	rddreg [dreg:$0xe]  }
0x132: {  	[spmem:s2] =	stream.indirect.scatter.add.f32 [tilespmem:s8], [sflag:$0x1], $0x1, s10, s7, $0xb8;
	[tilespmem:$0x1700] =	vst v63  }
0x133: {  	s0 =	rddreg [dreg:$0xf]  }
0x134: {  	[spmem:s2] =	stream.indirect.scatter.add.f32 [tilespmem:s8], [sflag:$0x1], $0x1, s0, s7, $0xb8;
	[tilespmem:$0x1700] =	vst v63  }
0x135: {  	s10 =	rddreg [dreg:$0x10]  }
0x136: {  	[spmem:s2] =	stream.indirect.scatter.add.f32 [tilespmem:s8], [sflag:$0x1], $0x1, s10, s7, $0xb8;
	[tilespmem:$0x1700] =	vst v63  }
0x137: {  	s0 =	rddreg [dreg:$0x11]  }
0x138: {  	[spmem:s2] =	stream.indirect.scatter.add.f32 [tilespmem:s8], [sflag:$0x1], $0x1, s0, s7, $0xb8;
	[tilespmem:$0x1700] =	vst v63  }
0x139: {  	s10 =	rddreg [dreg:$0x12]  }
0x13a: {  	[spmem:s2] =	stream.indirect.scatter.add.f32 [tilespmem:s8], [sflag:$0x1], $0x1, s10, s7, $0xb8;
	[tilespmem:$0x1700] =	vst v63  }
0x13b: {  	s0 =	rddreg [dreg:$0x13]  }
0x13c: {  	[spmem:s2] =	stream.indirect.scatter.add.f32 [tilespmem:s8], [sflag:$0x1], $0x1, s0, s7, $0xb8;
	[tilespmem:$0x1700] =	vst v63  }
0x13d: {  	s10 =	rddreg [dreg:$0x14]  }
0x13e: {  	[spmem:s2] =	stream.indirect.scatter.add.f32 [tilespmem:s8], [sflag:$0x1], $0x1, s10, s7, $0xb8;
	[tilespmem:$0x1700] =	vst v63  }
0x13f: {  	_ =	swait.ge [sflag:s9], $0x80  }
0x140: {  	[sflag:s9] =	ssyncset.done $0x0  }
0x141: {  	[sflag:s9] =	ssyncadd.s32 $0xFFFFFF80  }
0x142: {  	_ =	swait.ge [sflag:s9], $0x80  }
0x143: {  	[sflag:s9] =	ssyncset.done $0x0  }
0x144: {  	[sflag:s9] =	ssyncadd.s32 $0xFFFFFF80  }
0x145: {  	_ =	swait.ge [sflag:s9], $0x80  }
0x146: {  	[sflag:s9] =	ssyncset.done $0x0  }
0x147: {  	[sflag:s9] =	ssyncadd.s32 $0xFFFFFF80  }
0x148: {  	_ =	swait.ge [sflag:s9], $0x80  }
0x149: {  	[sflag:s9] =	ssyncset.done $0x0  }
0x14a: {  	[sflag:s9] =	ssyncadd.s32 $0xFFFFFF80  }
0x14b: {  	_ =	swait.ge [sflag:s9], $0x80  }
0x14c: {  	[sflag:s9] =	ssyncset.done $0x0  }
0x14d: {  	[sflag:s9] =	ssyncadd.s32 $0xFFFFFF80  }
0x14e: {  	_ =	swait.ge [sflag:s9], $0x80  }
0x14f: {  	[sflag:s9] =	ssyncset.done $0x0  }
0x150: {  	[sflag:s9] =	ssyncadd.s32 $0xFFFFFF80  }
0x151: {  	_ =	swait.ge [sflag:s9], $0x80  }
0x152: {  	[sflag:s9] =	ssyncset.done $0x0  }
0x153: {  	[sflag:s9] =	ssyncadd.s32 $0xFFFFFF80  }
0x154: {  	_ =	swait.ge [sflag:s9], $0x80  }
0x155: {  	[sflag:s9] =	ssyncset.done $0x0  }
0x156: {  	s0 =	rddreg [dreg:$0x15];
	[sflag:s9] =	ssyncadd.s32 $0xFFFFFF80  }
0x157: {  	[spmem:s2] =	stream.indirect.scatter.add.f32 [tilespmem:s8], [sflag:$0x1], $0x1, s0, s7, $0xb8;
	[tilespmem:$0x1700] =	vst v63  }
0x158: {  	s10 =	rddreg [dreg:$0x16]  }
0x159: {  	[spmem:s2] =	stream.indirect.scatter.add.f32 [tilespmem:s8], [sflag:$0x1], $0x1, s10, s7, $0xb8;
	[tilespmem:$0x1700] =	vst v63  }
0x15a: {  	s0 =	rddreg [dreg:$0x17]  }
0x15b: {  	[spmem:s2] =	stream.indirect.scatter.add.f32 [tilespmem:s8], [sflag:$0x1], $0x1, s0, s7, $0xb8;
	[tilespmem:$0x1700] =	vst v63  }
0x15c: {  	s10 =	rddreg [dreg:$0x18]  }
0x15d: {  	[spmem:s2] =	stream.indirect.scatter.add.f32 [tilespmem:s8], [sflag:$0x1], $0x1, s10, s7, $0xb8;
	[tilespmem:$0x1700] =	vst v63  }
0x15e: {  	s0 =	rddreg [dreg:$0x19]  }
0x15f: {  	[spmem:s2] =	stream.indirect.scatter.add.f32 [tilespmem:s8], [sflag:$0x1], $0x1, s0, s7, $0xb8;
	[tilespmem:$0x1700] =	vst v63  }
0x160: {  	s10 =	simm.s32 $0xA80  }
0x161: {  	[spmem:s2] =	stream.indirect.scatter.add.f32 [tilespmem:s8], [sflag:$0x1], $0x1, s10, s7, $0xb8;
	[tilespmem:$0x1700] =	vst v63  }
0x162: {  	_ = 	snop  }
0x163: {  	[spmem:s2] =	stream.indirect.scatter.add.f32 [tilespmem:s8], [sflag:$0x1], $0x1, s11, s7, $0xb8;
	[tilespmem:$0x1700] =	vst v63  }
0x164: {  	_ = 	snop  }
0x165: {  	[spmem:s2] =	stream.indirect.scatter.add.f32 [tilespmem:s8], [sflag:$0x1], $0x1, s12, s7, $0xb8;
	[tilespmem:$0x1700] =	vst v63  }
0x166: {  	_ =	swait.ge [sflag:s9], $0x80  }
0x167: {  	[sflag:s9] =	ssyncset.done $0x0  }
0x168: {  	[sflag:s9] =	ssyncadd.s32 $0xFFFFFF80  }
0x169: {  	_ =	swait.ge [sflag:s9], $0x80  }
0x16a: {  	[sflag:s9] =	ssyncset.done $0x0  }
0x16b: {  	[sflag:s9] =	ssyncadd.s32 $0xFFFFFF80  }
0x16c: {  	_ =	swait.ge [sflag:s9], $0x80  }
0x16d: {  	[sflag:s9] =	ssyncset.done $0x0  }
0x16e: {  	[sflag:s9] =	ssyncadd.s32 $0xFFFFFF80  }
0x16f: {  	_ =	swait.ge [sflag:s9], $0x80  }
0x170: {  	[sflag:s9] =	ssyncset.done $0x0  }
0x171: {  	[sflag:s9] =	ssyncadd.s32 $0xFFFFFF80  }
0x172: {  	_ =	swait.ge [sflag:s9], $0x80  }
0x173: {  	[sflag:s9] =	ssyncset.done $0x0  }
0x174: {  	[sflag:s9] =	ssyncadd.s32 $0xFFFFFF80  }
0x175: {  	_ =	swait.ge [sflag:s9], $0x80  }
0x176: {  	[sflag:s9] =	ssyncset.done $0x0  }
0x177: {  	[sflag:s9] =	ssyncadd.s32 $0xFFFFFF80  }
0x178: {  	_ =	swait.ge [sflag:s9], $0x80  }
0x179: {  	[sflag:s9] =	ssyncset.done $0x0  }
0x17a: {  	[sflag:s9] =	ssyncadd.s32 $0xFFFFFF80  }
0x17b: {  	_ =	swait.ge [sflag:s9], $0x80  }
0x17c: {  	[sflag:s9] =	ssyncset.done $0x0  }
0x17d: {  	[sflag:s9] =	ssyncadd.s32 $0xFFFFFF80  }
0x17e: {  	[spmem:s2] =	stream.indirect.scatter.add.f32 [tilespmem:s8], [sflag:$0x1], $0x1, s13, s7, $0xb8;
	[tilespmem:$0x1700] =	vst v63  }
0x17f: {  	_ = 	snop  }
0x180: {  	[spmem:s2] =	stream.indirect.scatter.add.f32 [tilespmem:s8], [sflag:$0x1], $0x1, s14, s7, $0xb8;
	[tilespmem:$0x1700] =	vst v63  }
0x181: {  	_ = 	snop  }
0x182: {  	[spmem:s2] =	stream.indirect.scatter.add.f32 [tilespmem:s8], [sflag:$0x1], $0x1, s15, s7, $0xb8;
	[tilespmem:$0x1700] =	vst v63  }
0x183: {  	_ = 	snop  }
0x184: {  	[spmem:s2] =	stream.indirect.scatter.add.f32 [tilespmem:s8], [sflag:$0x1], $0x1, s16, s7, $0xb8;
	[tilespmem:$0x1700] =	vst v63  }
0x185: {  	_ = 	snop  }
0x186: {  	[spmem:s2] =	stream.indirect.scatter.add.f32 [tilespmem:s8], [sflag:$0x1], $0x1, s17, s7, $0xb8;
	[tilespmem:$0x1700] =	vst v63  }
0x187: {  	_ = 	snop  }
0x188: {  	[spmem:s2] =	stream.indirect.scatter.add.f32 [tilespmem:s8], [sflag:$0x1], $0x1, s18, s7, $0xb8;
	[tilespmem:$0x1700] =	vst v63  }
0x189: {  	_ = 	snop  }
0x18a: {  	[spmem:s2] =	stream.indirect.scatter.add.f32 [tilespmem:s8], [sflag:$0x1], $0x1, s19, s7, $0xb8;
	[tilespmem:$0x1700] =	vst v63  }
0x18b: {  	_ = 	snop  }
0x18c: {  	[spmem:s2] =	stream.indirect.scatter.add.f32 [tilespmem:s8], [sflag:$0x1], $0x1, s20, s7, $0xb8;
	[tilespmem:$0x1700] =	vst v63  }
0x18d: {  	_ =	swait.ge [sflag:s9], $0x80  }
0x18e: {  	[sflag:s9] =	ssyncset.done $0x0  }
0x18f: {  	[sflag:s9] =	ssyncadd.s32 $0xFFFFFF80  }
0x190: {  	_ =	swait.ge [sflag:s9], $0x80  }
0x191: {  	[sflag:s9] =	ssyncset.done $0x0  }
0x192: {  	[sflag:s9] =	ssyncadd.s32 $0xFFFFFF80  }
0x193: {  	_ =	swait.ge [sflag:s9], $0x80  }
0x194: {  	[sflag:s9] =	ssyncset.done $0x0  }
0x195: {  	[sflag:s9] =	ssyncadd.s32 $0xFFFFFF80  }
0x196: {  	_ =	swait.ge [sflag:s9], $0x80  }
0x197: {  	[sflag:s9] =	ssyncset.done $0x0  }
0x198: {  	[sflag:s9] =	ssyncadd.s32 $0xFFFFFF80  }
0x199: {  	_ =	swait.ge [sflag:s9], $0x80  }
0x19a: {  	[sflag:s9] =	ssyncset.done $0x0  }
0x19b: {  	[sflag:s9] =	ssyncadd.s32 $0xFFFFFF80  }
0x19c: {  	_ =	swait.ge [sflag:s9], $0x80  }
0x19d: {  	[sflag:s9] =	ssyncset.done $0x0  }
0x19e: {  	[sflag:s9] =	ssyncadd.s32 $0xFFFFFF80  }
0x19f: {  	_ =	swait.ge [sflag:s9], $0x80  }
0x1a0: {  	[sflag:s9] =	ssyncset.done $0x0  }
0x1a1: {  	[sflag:s9] =	ssyncadd.s32 $0xFFFFFF80  }
0x1a2: {  	_ =	swait.ge [sflag:s9], $0x80  }
0x1a3: {  	[sflag:s9] =	ssyncset.done $0x0  }
0x1a4: {  	[sflag:s9] =	ssyncadd.s32 $0xFFFFFF80  }
0x1a5: {  	[spmem:s2] =	stream.indirect.scatter.add.f32 [tilespmem:s8], [sflag:$0x1], $0x1, s21, s7, $0xb8;
	[tilespmem:$0x1700] =	vst v63  }
0x1a6: {  	_ = 	snop  }
0x1a7: {  	[spmem:s2] =	stream.indirect.scatter.add.f32 [tilespmem:s8], [sflag:$0x1], $0x1, s22, s7, $0xb8;
	[tilespmem:$0x1700] =	vst v63  }
0x1a8: {  	_ = 	snop  }
0x1a9: {  	[spmem:s2] =	stream.indirect.scatter.add.f32 [tilespmem:s8], [sflag:$0x1], $0x1, s23, s7, $0xb8;
	[tilespmem:$0x1700] =	vst v63  }
0x1aa: {  	_ = 	snop  }
0x1ab: {  	[spmem:s2] =	stream.indirect.scatter.add.f32 [tilespmem:s8], [sflag:$0x1], $0x1, s24, s7, $0xb8;
	[tilespmem:$0x1700] =	vst v63  }
0x1ac: {  	_ = 	snop  }
0x1ad: {  	[spmem:s2] =	stream.indirect.scatter.add.f32 [tilespmem:s8], [sflag:$0x1], $0x1, s25, s7, $0xb8;
	[tilespmem:$0x1700] =	vst v63  }
0x1ae: {  	_ = 	snop  }
0x1af: {  	[spmem:s2] =	stream.indirect.scatter.add.f32 [tilespmem:s8], [sflag:$0x1], $0x1, s26, s7, $0xb8;
	[tilespmem:$0x1700] =	vst v63  }
0x1b0: {  	_ = 	snop  }
0x1b1: {  	[spmem:s2] =	stream.indirect.scatter.add.f32 [tilespmem:s8], [sflag:$0x1], $0x1, s28, s7, $0xb8;
	[tilespmem:$0x1700] =	vst v63  }
0x1b2: {  	_ = 	snop  }
0x1b3: {  	[spmem:s2] =	stream.indirect.scatter.add.f32 [tilespmem:s8], [sflag:$0x1], $0x1, s29, s7, $0xb8;
	[tilespmem:$0x1700] =	vst v63  }
0x1b4: {  	_ =	swait.ge [sflag:s9], $0x80  }
0x1b5: {  	[sflag:s9] =	ssyncset.done $0x0  }
0x1b6: {  	[sflag:s9] =	ssyncadd.s32 $0xFFFFFF80  }
0x1b7: {  	_ =	swait.ge [sflag:s9], $0x80  }
0x1b8: {  	[sflag:s9] =	ssyncset.done $0x0  }
0x1b9: {  	[sflag:s9] =	ssyncadd.s32 $0xFFFFFF80  }
0x1ba: {  	_ =	swait.ge [sflag:s9], $0x80  }
0x1bb: {  	[sflag:s9] =	ssyncset.done $0x0  }
0x1bc: {  	[sflag:s9] =	ssyncadd.s32 $0xFFFFFF80  }
0x1bd: {  	_ =	swait.ge [sflag:s9], $0x80  }
0x1be: {  	[sflag:s9] =	ssyncset.done $0x0  }
0x1bf: {  	[sflag:s9] =	ssyncadd.s32 $0xFFFFFF80  }
0x1c0: {  	_ =	swait.ge [sflag:s9], $0x80  }
0x1c1: {  	[sflag:s9] =	ssyncset.done $0x0  }
0x1c2: {  	[sflag:s9] =	ssyncadd.s32 $0xFFFFFF80  }
0x1c3: {  	_ =	swait.ge [sflag:s9], $0x80  }
0x1c4: {  	[sflag:s9] =	ssyncset.done $0x0  }
0x1c5: {  	p0 =	sne.s32 s1, $0x1;
	[sflag:s9] =	ssyncadd.s32 $0xFFFFFF80  }
.Ltmp1:
0x1c6: {  	_ =	swait.ge [sflag:s9], $0x80;
	(pc) =	sbr.rel @p0 .LBB2_1-.Ltmp1, $4  }
0x1c7: {  	[sflag:s9] =	ssyncset.done $0x0  }
0x1c8: {  	[sflag:s9] =	ssyncadd.s32 $0xFFFFFF80  }
0x1c9: {  	_ =	swait.ge [sflag:s9], $0x80  }
0x1ca: {  	s1 =	sadd.s32 $0xFFFFFFFF, s1;
	[sflag:s9] =	ssyncset.done $0x0  }
.LBB2_2:
0x1cb: {  	[sflag:s9] =	ssyncadd.s32 $0xFFFFFF80  }
0x1cc: {  	[bflag:$0x0] =	sbarrier.arrive $0xFFFF  }
0x1cd: {  	s0 =	rddreg [dreg:$0x6]  }
0x1ce: {  	[hbm:s0@s30], [sflag:s4] =	dma.strided [spmem:s6@s31], $0x50, s9, $0x10   }
0x1cf: {  	_ =	swait.ge [sflag:s5], $0x50  }
0x1d0: {  	[sflag:s5] =	ssyncset.done $0x0  }
0x1d1: {  	[sflag:s5] =	ssyncadd.s32 $0xFFFFFFB0  }
0x1d2: {  	_ =	sfence.sel $0x180000  }
0x1d3: {  	[bflag:$0x0] =	sbarrier.arrive $0xFFFF  }
0x1d4: {  	_ =	strace $0x90000047  }
0x1d5: {  	s31 =	stileid.u32;
	[bflag:$0x2] =	sbarrier.arrive $0xFFFF  }
0x1d6: {  	p0 =	sne.s32 s31, $0x0;
	s0 =	rddreg [dreg:$0x3]  }
0x1d7: {  	s0 =	sadd.s32 @!p0 $0x100000, s0  }
0x1d8: {  	[sflag:s0] =	ssyncadd.tile.s32 @!p0 $0x1;
	_ =	shalt  }
.Lfunc_end2:
_tile_overlayer_lowered:
.L_overlay_start_2:
0x1d9: {  	(tag) =	ssettag $0x2  }
0x1da: {  	s0 =	rddreg [dreg:$0x0];
	s2 =	stileid.u32  }
0x1db: {  	s1 =	rddreg [dreg:$0x1];
	p0 =	sne.s32 s2, $0x0  }
0x1dc: {  	s3 =	rddreg [dreg:$0x2];
	[bflag:$0x3] =	sbarrier.arrive $0xFFFF;
	s2 =	simm.s32 @!p0 $0x1C02  }
0x1dd: {  	[timem:s3], [sflag:s2] =	dma.local @!p0 [hbm:s0], s1  }
0x1de: {  	s0 =	simm.s32 @!p0 $0x2  }
0x1df: {  	_ =	swait.ge @!p0 [sflag:s0], s1  }
0x1e0: {  	s1 =	ssub.s32 @!p0 $0x0, s1;
	[sflag:s0] =	ssyncset.done @!p0 $0x0  }
0x1e1: {  	[sflag:s0] =	ssyncadd.s32 @!p0 s1  }
0x1e2: {  	[bflag:$0x3] =	sbarrier.arrive $0xFFFF  }
0x1e3: {  	_ =	shalt  }

// kernel: kernel.7.cloned.1.call-start
scs
__scs_entry_jumppad:
0x0: {  	(pc) =	sbr.rel $0x88, $3  }
0x1: {  	(tag) =	ssettag $0x0;
	lr =	simm.s32 $0x1  }
0x2: {  	[smem:$0x3F9E] =	sst lr;
	_ =	strace $0xD0000000  }
0x3: {  	_ = 	snop  }
0x4: {  	_ = 	snop  }
0x5: {  	_ = 	snop  }
0x6: {  	_ = 	snop  }
0x7: {  	_ = 	snop  }
__scs_overlays_trampoline_lowered:
0x8: {  	[smem:$0x3FAD] =	sst s0  }
0x9: {  	[smem:$0x3FAE] =	sst s1  }
0xa: {  	[smem:$0x3FAF] =	sst s2  }
0xb: {  	[smem:$0x3FB0] =	sst s3  }
0xc: {  	[smem:$0x3FB1] =	sst s4  }
0xd: {  	[smem:$0x3FB2] =	sst s5  }
0xe: {  	[smem:$0x3FB3] =	sst s6  }
0xf: {  	[smem:$0x3FB4] =	sst s7  }
0x10: {  	[smem:$0x3FB5] =	sst s8  }
0x11: {  	[smem:$0x3FB6] =	sst s9;
	s0 =	simm.s32 @!p0 $0x0  }
0x12: {  	s1 =	sld [smem:$0x3F9C];
	s0 =	simm.s32 @p0 $0x1  }
0x13: {  	[smem:$0x3FB7] =	sst s0;
	s0 =	simm.s32 @!p1 $0x0  }
0x14: {  	s2 =	sld [smem:$0x3F9B];
	s0 =	simm.s32 @p1 $0x1  }
0x15: {  	[smem:$0x3FB8] =	sst s0;
	s0 =	simm.s32 @!p2 $0x0  }
0x16: {  	s3 =	sld [smem:$0x3FDB];
	s0 =	simm.s32 @p2 $0x1  }
0x17: {  	s4 =	simm.s32 $0x1BF5;
	[smem:$0x3FBA] =	sst s0  }
0x18: {  	s0 =	sld [smem:$0x3F9D];
	_ =	swait.ge [sflag:s4], $0x0  }
0x19: {  	s7 =	sld [smem:$0x3F9E]  }
0x1a: {  	s8 =	sadd.s32 $0xFFFFE003, lr  }
0x1b: {  	s9 =	sadd.s32 $0xFFFFFEF7, lr;
	s5 =	simm.s32 $0xFFFFFFFF;
	p2 =	slt.u32 s8, $0xFFFFF086  }
0x1c: {  	p1 =	slt.u32 s9, $0xF7A;
	s5 =	simm.s32 @!p2 $0x0  }
0x1d: {  	s5 =	simm.s32 @p1 $0x1;
	p0 =	seq.s32 s7, s2  }
0x1e: {  	s7 =	smul.u32 @!p0 $0xF7A, s2;
	p2 =	seq.s32 @!p0 s5, $0x0  }
0x1f: {  	s9 =	smul.u32 $0xF7A, s1;
	s8 =	simm.s32 @!p0 $0x1BF5;
	p2 =	por !p2, p0  }
0x20: {  	[sflag:s8] =	ssyncset.s32 @!p0 $0xFFFFF086;
	s6 =	sadd.s32 @!p0 s3, s7;
	s7 =	simm.s32 @!p0 $0x108  }
0x21: {  	s3 =	sadd.s32 s3, s9;
	s6 =	sadd.s32 @!p0 $0x88, s6;
	s7 =	simm.s32 @p2 $0x1082  }
0x22: {  	[simem:s7], [sflag:s8] =	dma.local @!p0 [hbm:s6], $0xF7A  }
0x23: {  	s9 =	sor.u32 $0xD0000000, s2;
	s6 =	simm.s32 $0x108;
	_ =	swait.ge @!p0 [sflag:s8], $0x0  }
0x24: {  	s3 =	sadd.s32 $0x88, s3;
	s6 =	simm.s32 @!p1 $0x1082;
	[sflag:s4] =	ssyncset.s32 $0xFFFFF086  }
0x25: {  	[simem:s6], [sflag:s4] =	dma.local [hbm:s3], $0xF7A  }
0x26: {  	[smem:$0x3F9E] =	sst s1;
	(tag) =	ssettag s2;
	_ =	strace s9  }
0x27: {  	s1 =	sld [smem:$0x3FAE]  }
0x28: {  	s2 =	sld [smem:$0x3FAF]  }
0x29: {  	s4 =	sld [smem:$0x3FB1]  }
0x2a: {  	p0 =	seq.s32 s5, $0x0;
	s5 =	sld [smem:$0x3FB2]  }
0x2b: {  	s6 =	sld [smem:$0x3FB3]  }
0x2c: {  	s7 =	sld [smem:$0x3FB4]  }
0x2d: {  	s3 =	simm.s32 $0x108;
	s8 =	sld [smem:$0x3FB5]  }
0x2e: {  	s3 =	simm.s32 @!p0 $0x1082;
	s9 =	sld [smem:$0x3FB6]  }
0x2f: {  	lr =	sadd.s32 s0, s3;
	s0 =	sld [smem:$0x3FAD]  }
0x30: {  	s3 =	sld [smem:$0x3FB0]  }
0x31: {  	[smem:$0x3FB9] =	sst s10  }
0x32: {  	s10 =	sld [smem:$0x3FB7];
	_ =	sdelay $0x3  }
0x33: {  	p0 =	seq.s32 s10, $0x1;
	s10 =	sld [smem:$0x3FB9];
	_ =	sdelay $0x3  }
0x34: {  	[smem:$0x3FB9] =	sst s10  }
0x35: {  	s10 =	sld [smem:$0x3FB8];
	_ =	sdelay $0x3  }
0x36: {  	p1 =	seq.s32 s10, $0x1;
	s10 =	sld [smem:$0x3FB9];
	_ =	sdelay $0x3  }
0x37: {  	[smem:$0x3FB9] =	sst s10  }
0x38: {  	s10 =	sld [smem:$0x3FBA]  }
0x39: {  	_ = 	snop;
	(pc) =	sbr.ind lr, $3  }
0x3a: {  	_ = 	snop  }
0x3b: {  	_ = 	snop  }
0x3c: {  	p2 =	seq.s32 s10, $0x1;
	s10 =	sld [smem:$0x3FB9]  }
0x3d: {  	_ =	shalt  }
0x3e: {  	_ =	shalt  }
0x3f: {  	_ =	shalt  }
0x40: {  	_ =	shalt  }
0x41: {  	_ =	shalt  }
0x42: {  	_ =	shalt  }
0x43: {  	_ =	shalt  }
0x44: {  	_ =	shalt  }
0x45: {  	_ =	shalt  }
0x46: {  	_ =	shalt  }
0x47: {  	_ =	shalt  }
0x48: {  	_ =	shalt  }
0x49: {  	_ =	shalt  }
0x4a: {  	_ =	shalt  }
0x4b: {  	_ =	shalt  }
0x4c: {  	_ =	shalt  }
0x4d: {  	_ =	shalt  }
0x4e: {  	_ =	shalt  }
0x4f: {  	_ =	shalt  }
0x50: {  	_ =	shalt  }
0x51: {  	_ =	shalt  }
0x52: {  	_ =	shalt  }
0x53: {  	_ =	shalt  }
0x54: {  	_ =	shalt  }
0x55: {  	_ =	shalt  }
0x56: {  	_ =	shalt  }
0x57: {  	_ =	shalt  }
0x58: {  	_ =	shalt  }
0x59: {  	_ =	shalt  }
0x5a: {  	_ =	shalt  }
0x5b: {  	_ =	shalt  }
0x5c: {  	_ =	shalt  }
0x5d: {  	_ =	shalt  }
0x5e: {  	_ =	shalt  }
0x5f: {  	_ =	shalt  }
0x60: {  	_ =	shalt  }
0x61: {  	_ =	shalt  }
0x62: {  	_ =	shalt  }
0x63: {  	_ =	shalt  }
0x64: {  	_ =	shalt  }
0x65: {  	_ =	shalt  }
0x66: {  	_ =	shalt  }
0x67: {  	_ =	shalt  }
0x68: {  	_ =	shalt  }
0x69: {  	_ =	shalt  }
0x6a: {  	_ =	shalt  }
0x6b: {  	_ =	shalt  }
0x6c: {  	_ =	shalt  }
0x6d: {  	_ =	shalt  }
0x6e: {  	_ =	shalt  }
0x6f: {  	_ =	shalt  }
0x70: {  	_ =	shalt  }
0x71: {  	_ =	shalt  }
0x72: {  	_ =	shalt  }
0x73: {  	_ =	shalt  }
0x74: {  	_ =	shalt  }
0x75: {  	_ =	shalt  }
0x76: {  	_ =	shalt  }
0x77: {  	_ =	shalt  }
0x78: {  	_ =	shalt  }
0x79: {  	_ =	shalt  }
0x7a: {  	_ =	shalt  }
0x7b: {  	_ =	shalt  }
0x7c: {  	_ =	shalt  }
0x7d: {  	_ =	shalt  }
0x7e: {  	_ =	shalt  }
0x7f: {  	_ =	shalt  }
0x80: {  	_ =	shalt  }
0x81: {  	_ =	shalt  }
0x82: {  	_ =	shalt  }
0x83: {  	_ =	shalt  }
0x84: {  	_ =	shalt  }
0x85: {  	_ =	shalt  }
0x86: {  	_ =	shalt  }
0x87: {  	_ =	shalt  }
.Lfunc_end0:
.L_simem_size_0:
called_computation.1_lowered:
.L_overlay_start_0:
0x88: {  	s2 =	sld [smem:$0x3FD9]  }
0x89: {  	s3 =	sld [smem:$0x3FFE];
	_ =	sdelay $0x1  }
0x8a: {  	s1 =	srdreg.scid  }
0x8b: {  	s0 =	sand.u32 $0x1, s1  }
0x8c: {  	s17 =	sshll.u32 s0, $0xA;
	s2 =	sadd.s32 s3, s2  }
0x8d: {  	s2 =	sadd.s32 s2, s17  }
0x8e: {  	[smem:$0x3FC5] =	sst s2  }
0x8f: {  	_ = 	snop  }
0x90: {  	s2 =	sld [smem:$0x3FD0];
	(tm) =	ssettm $0x1  }
0x91: {  	s18 =	sld [smem:$0x3FFB];
	_ =	sdelay $0x3  }
0x92: {  	_ =	strace s18  }
0x93: {  	s3 =	sld [smem:$0x3FFC];
	_ =	sdelay $0x3  }
0x94: {  	_ =	strace s3  }
0x95: {  	s3 =	sld [smem:$0x3FFD];
	_ =	sdelay $0x3  }
0x96: {  	_ =	strace s3  }
0x97: {  	_ =	strace $0x8FFFFFFF  }
0x98: {  	s19 =	sld [smem:$0x3FDB];
	_ =	sdelay $0x1  }
0x99: {  	s4 =	simm.s32 $_scs_section_size  }
0x9a: {  	s5 =	simm.s32 $_size__tile_overlayer_lowered;
	s6 =	simm.s32 $_tile_overlayer_lowered  }
0x9b: {  	s22 =	simm.s32 $0x1BFF;
	s21 =	sshll.u32 s6, $0x1;
	s3 =	sadd.s32 s4, s19  }
0x9c: {  	s7 =	simm.s32 $0x0;
	s20 =	sshll.u32 s5, $0x1;
	s5 =	sadd.s32 s21, s3  }
0x9d: {  	[timem:s7], [sflag:s22] =	dma.local [hbm:s5], s20  }
0x9e: {  	_ =	swait.ge [sflag:s22], s20  }
0x9f: {  	s4 =	ssub.s32 $0x0, s20;
	[sflag:s22] =	ssyncset.done $0x0  }
0xa0: {  	[sflag:s22] =	ssyncadd.s32 s4;
	_ =	sdelay $0x1  }
0xa1: {  	s23 =	simm.s32 $0x1B8B  }
0xa2: {  	_ =	swait.ge [sflag:s23], $0x1  }
0xa3: {  	[sflag:s23] =	ssyncset.done $0x0  }
0xa4: {  	s25 =	simm.s32 $0x1B8E;
	s24 =	sld [smem:$0x3FFE];
	[sflag:s23] =	ssyncadd.s32 $0xFFFFFFFF  }
0xa5: {  	s26 =	simm.s32 $execute0_lowered;
	[smem:$0x3FD2] =	sst s25  }
0xa6: {  	s5 =	sshll.u32 s26, $0x1;
	_ =	strace $0x80000049;
	[dreg:$0x1] =	wrdreg $0xFFFFFFFF  }
0xa7: {  	s28 =	simm.s32 $_size_execute0_lowered;
	s3 =	sadd.s32 s3, s5;
	[dreg:$0x0] =	wrdreg $0x0  }
0xa8: {  	s5 =	sshll.u32 s28, $0x1;
	[dreg:$0x2] =	wrdreg s3  }
0xa9: {  	[dreg:$0x3] =	wrdreg s5  }
0xaa: {  	[dreg:$0x4] =	wrdreg $0xC0  }
0xab: {  	_ =	task [dreg:s7], $0x5FFFF  }
0xac: {  	[dreg:$0x1] =	wrdreg $0xFFFFFFFF  }
0xad: {  	[dreg:$0x0] =	wrdreg $0x60  }
0xae: {  	[dreg:$0x2] =	wrdreg s24  }
0xaf: {  	[dreg:$0x3] =	wrdreg s2  }
0xb0: {  	[dreg:$0x4] =	wrdreg $0x2A000  }
0xb1: {  	[dreg:$0x5] =	wrdreg $0x2C800  }
0xb2: {  	[dreg:$0x6] =	wrdreg $0x9  }
0xb3: {  	_ =	task.clear_ibuf [dreg:s7], $0x7FFFF;
	_ =	strace $0x90000049  }
0xb4: {  	s29 =	simm.s32 $0x9;
	_ =	strace $0x8000004B  }
0xb5: {  	_ =	swait.ge [sflag:s29], $0x1  }
0xb6: {  	[sflag:s29] =	ssyncadd.s32 $0xFFFFFFFF  }
0xb7: {  	_ =	strace $0x9000004B  }
0xb8: {  	_ =	sfence  }
0xb9: {  	s30 =	sld [smem:$0x0];
	_ =	sdelay $0x2  }
0xba: {  	s31 =	sshll.u32 s1, $0xD;
	s1 =	sshrl.u32 s1, $0x2  }
0xbb: {  	s3 =	sand.u32 $0x4000, s31;
	s1 =	sadd.s32 s1, s30  }
0xbc: {  	s0 =	sor.u32 s3, s0;
	s1 =	sshll.u32 s1, $0x11  }
0xbd: {  	s0 =	sor.u32 s1, s0  }
0xbe: {  	s0 =	sadd.s32 $0x8F2B, s0  }
0xbf: {  	[sflag:s0] =	ssyncadd.remote.s32 $0x1  }
0xc0: {  	_ =	sfence.sel $0xFFFF  }
0xc1: {  	[dreg:$0x0] =	wrdreg $0xFFFFFFFF;
	(pc) =	sbr.abs _section_cstart, $3  }
0xc2: {  	[dreg:$0x1] =	wrdreg $0xFFFFFFFF  }
0xc3: {  	_ =	task.clear_ibuf [dreg:s7], $0x2FFFF;
	_ =	strace $0x9FFFFFFF  }
0xc4: {  	(tm) =	ssettm $0x7FFFFFFF  }
0xc5: {  	_ =	shalt  }
tec
execute0_lowered:
.L_overlay_start_1:
0x0: {  	(tag) =	ssettag $0x1  }
0x1: {  	s0 =	rddreg [dreg:$0x0]  }
0x2: {  	s2 =	rddreg [dreg:$0x2]  }
0x3: {  	s3 =	rddreg [dreg:$0x3]  }
0x4: {  	s1 =	srdreg.scid;
	s11 =	stileid.u32  }
0x5: {  	s4 =	simm.s32 $0x0;
	s15 =	simm.s32 $0x80;
	s16 =	simm.s32 $0x2800  }
0x6: {  	s17 =	simm.s32 $0x2880;
	s19 =	simm.s32 $0x2900;
	s21 =	simm.s32 $0x2980  }
0x7: {  	s22 =	simm.s32 $0x1;
	s23 =	simm.s32 $0x2;
	s28 =	simm.s32 $0x6  }
0x8: {  	s29 =	simm.s32 $0x7;
	s30 =	simm.s32 $0x8;
	s18 =	simm.s32 $0x20  }
0x9: {  	s20 =	simm.s32 $0x10;
	s31 =	simm.s32 $0x0;
	s1 =	sand.u32 $0x1, s1  }
0xa: {  	s5 =	smul.u32 $0x500, s11;
	[smem:$0x7FF] =	sst s4;
	s7 =	sshll.u32 s11, $0x1  }
0xb: {  	s9 =	smul.u32 $0xA00, s11;
	s26 =	sshll.u32 s11, $0x6;
	p0 =	sne.s32 s11, $0x0  }
0xc: {  	s6 =	sshll.u32 s1, $0x7;
	_ =	strace $0x8000004A;
	s8 =	ssub.s32 $0x2, s1  }
0xd: {  	s1 =	sor.u32 s1, s7;
	s14 =	sshrl.u32 @!p0 s3, $0x3;
	s6 =	sor.u32 s6, s5  }
0xe: {  	s5 =	sadd.s32 $0xA000, s0;
	s24 =	sshrl.u32 s8, $0x1;
	s1 =	smul.u32 $0x280, s1  }
0xf: {  	s25 =	sshrl.u32 s9, $0x2;
	s6 =	sshrl.u32 s6, $0x3;
	s12 =	ssub.s32 s8, s24  }
0x10: {  	s13 =	sadd.s32 s25, s2;
	s24 =	simm.s32 $0x3;
	s25 =	simm.s32 $0x4  }
0x11: {  	s10 =	sadd.s32 s6, s0;
	s6 =	sor.u32 $0x1C09, s26;
	s7 =	sadd.s32 s0, s1  }
0x12: {  	s11 =	sshrl.u32 s13, $0x3;
	s26 =	simm.s32 $0x5;
	s8 =	sadd.s32 $0x5000, s7  }
0x13: {  	s9 =	sadd.s32 $0xA600, s10;
	s10 =	smax.u32 s12, $0x1;
	s12 =	simm.s32 $0x9  }
.LBB2_1:
0x14: {  	s0 =	rddreg [dreg:$0x1]  }
0x15: {  	[spmem:s11], [sflag:s6] =	dma.local [hbm:s0], $0x50  }
0x16: {  	_ =	swait.ge [sflag:s12], $0x50  }
0x17: {  	[sflag:s12] =	ssyncset.done $0x0  }
0x18: {  	[sflag:s12] =	ssyncadd.s32 $0xFFFFFFB0  }
0x19: {  	[tilespmem:s4], [sflag:$0x9] =	stream.linear.gather [hbm4b:s8+s4], $0x1400, $0x38;
	[tilespmem:$0x2EF8] =	vst v63  }
0x1a: {  	_ =	swait.ge [sflag:s12], $0x1400  }
0x1b: {  	[sflag:s12] =	ssyncset.done $0x0  }
0x1c: {  	s1 =	simm.s32 $0x1400;
	[sflag:s12] =	ssyncadd.s32 $0xFFFFEC00  }
0x1d: {  	[tilespmem:s1], [sflag:$0x9] =	stream.linear.gather [hbm4b:s7+s4], $0x1400, $0x38;
	[tilespmem:$0x2EF8] =	vst v63  }
0x1e: {  	_ =	swait.ge [sflag:s12], $0x1400  }
0x1f: {  	[sflag:s12] =	ssyncset.done $0x0  }
0x20: {  	s0 =	simm.s32 @!p0 $0x9;
	[sflag:s12] =	ssyncadd.s32 $0xFFFFEC00  }
0x21: {  	[spmem:s14], [sflag:s6] =	dma.local @!p0 [hbm:s5], $0x4F0  }
0x22: {  	_ =	swait.ge @!p0 [sflag:s0], $0x4F0  }
0x23: {  	[sflag:s0] =	ssyncset.done @!p0 $0x0  }
0x24: {  	[sflag:s0] =	ssyncadd.s32 @!p0 $0xFFFFFB10  }
0x25: {  	[bflag:$0x0] =	sbarrier.arrive $0xFFFF  }
0x26: {  	[tilespmem:s16], [sflag:$0x1] =	stream.indirect.gather [spmem:s3], $0x1, s4, s15, $0xb8;
	[tilespmem:$0x2EF8] =	vst v63  }
0x27: {  	_ = 	snop  }
0x28: {  	[tilespmem:s17], [sflag:$0x2] =	stream.indirect.gather [spmem:s3], $0x1, s15, s15, $0xb8;
	[tilespmem:$0x2EF8] =	vst v63  }
0x29: {  	s13 =	simm.s32 $0x100  }
0x2a: {  	[tilespmem:s19], [sflag:$0x3] =	stream.indirect.gather [spmem:s3], $0x1, s13, s15, $0xb8;
	[tilespmem:$0x2EF8] =	vst v63  }
0x2b: {  	s1 =	simm.s32 $0x180  }
0x2c: {  	[tilespmem:s21], [sflag:$0x4] =	stream.indirect.gather [spmem:s3], $0x1, s1, s15, $0xb8;
	[tilespmem:$0x2EF8] =	vst v63  }
0x2d: {  	_ =	swait.ge [sflag:s22], $0x80  }
0x2e: {  	[sflag:s22] =	ssyncset.done $0x0  }
0x2f: {  	s13 =	simm.s32 $0x1400;
	[sflag:s22] =	ssyncadd.s32 $0xFFFFFF80  }
0x30: {  	[spmem:s2] =	stream.indirect.scatter.add.f32 [tilespmem:s16], [sflag:$0x5], $0x1, s13, s15, $0xb8;
	[tilespmem:$0x2EF8] =	vst v63  }
0x31: {  	_ =	swait.ge [sflag:s23], $0x80  }
0x32: {  	[sflag:s23] =	ssyncset.done $0x0  }
0x33: {  	s1 =	simm.s32 $0x1480;
	[sflag:s23] =	ssyncadd.s32 $0xFFFFFF80  }
0x34: {  	[spmem:s2] =	stream.indirect.scatter.add.f32 [tilespmem:s17], [sflag:$0x6], $0x1, s1, s15, $0xb8;
	[tilespmem:$0x2EF8] =	vst v63  }
0x35: {  	_ =	swait.ge [sflag:s24], $0x80  }
0x36: {  	[sflag:s24] =	ssyncset.done $0x0  }
0x37: {  	s13 =	simm.s32 $0x1500;
	[sflag:s24] =	ssyncadd.s32 $0xFFFFFF80  }
0x38: {  	[spmem:s2] =	stream.indirect.scatter.add.f32 [tilespmem:s19], [sflag:$0x7], $0x1, s13, s15, $0xb8;
	[tilespmem:$0x2EF8] =	vst v63  }
0x39: {  	_ =	swait.ge [sflag:s25], $0x80  }
0x3a: {  	[sflag:s25] =	ssyncset.done $0x0  }
0x3b: {  	s1 =	simm.s32 $0x1580;
	[sflag:s25] =	ssyncadd.s32 $0xFFFFFF80  }
0x3c: {  	[spmem:s2] =	stream.indirect.scatter.add.f32 [tilespmem:s21], [sflag:$0x8], $0x1, s1, s15, $0xb8;
	[tilespmem:$0x2EF8] =	vst v63  }
0x3d: {  	_ =	swait.ge [sflag:s26], $0x80  }
0x3e: {  	[sflag:s26] =	ssyncset.done $0x0  }
0x3f: {  	s13 =	simm.s32 $0x200;
	[sflag:s26] =	ssyncadd.s32 $0xFFFFFF80  }
0x40: {  	[tilespmem:s16], [sflag:$0x1] =	stream.indirect.gather [spmem:s3], $0x1, s13, s15, $0xb8;
	[tilespmem:$0x2EF8] =	vst v63  }
0x41: {  	_ =	swait.ge [sflag:s28], $0x80  }
0x42: {  	[sflag:s28] =	ssyncset.done $0x0  }
0x43: {  	s1 =	simm.s32 $0x280;
	[sflag:s28] =	ssyncadd.s32 $0xFFFFFF80  }
0x44: {  	[tilespmem:s17], [sflag:$0x2] =	stream.indirect.gather [spmem:s3], $0x1, s1, s15, $0xb8;
	[tilespmem:$0x2EF8] =	vst v63  }
0x45: {  	_ =	swait.ge [sflag:s29], $0x80  }
0x46: {  	[sflag:s29] =	ssyncset.done $0x0  }
0x47: {  	s13 =	simm.s32 $0x300;
	[sflag:s29] =	ssyncadd.s32 $0xFFFFFF80  }
0x48: {  	[tilespmem:s19], [sflag:$0x3] =	stream.indirect.gather [spmem:s3], $0x1, s13, s15, $0xb8;
	[tilespmem:$0x2EF8] =	vst v63  }
0x49: {  	_ =	swait.ge [sflag:s30], $0x80  }
0x4a: {  	[sflag:s30] =	ssyncset.done $0x0  }
0x4b: {  	s0 =	simm.s32 $0x800;
	s1 =	simm.s32 $0x380;
	[sflag:s30] =	ssyncadd.s32 $0xFFFFFF80  }
.LBB2_2:
0x4c: {  	[tilespmem:s21], [sflag:$0x4] =	stream.indirect.gather [spmem:s3], $0x1, s1, s15, $0xb8;
	[tilespmem:$0x2EF8] =	vst v63  }
0x4d: {  	s1 =	smov.u32 s0  }
0x4e: {  	p1 =	sne.s32 s0, $0x4000;
	s0 =	sadd.s32 $0x800, s0;
	_ =	swait.ge [sflag:s22], $0x80  }
0x4f: {  	s1 =	sshra.s32 s1, $0x2;
	[sflag:s22] =	ssyncset.done $0x0  }
0x50: {  	s13 =	sadd.s32 $0x1400, s1;
	[sflag:s22] =	ssyncadd.s32 $0xFFFFFF80  }
0x51: {  	[spmem:s2] =	stream.indirect.scatter.add.f32 [tilespmem:s16], [sflag:$0x5], $0x1, s13, s15, $0xb8;
	[tilespmem:$0x2EF8] =	vst v63  }
0x52: {  	_ =	swait.ge [sflag:s23], $0x80  }
0x53: {  	[sflag:s23] =	ssyncset.done $0x0  }
0x54: {  	s13 =	sadd.s32 $0x1480, s1;
	[sflag:s23] =	ssyncadd.s32 $0xFFFFFF80  }
0x55: {  	[spmem:s2] =	stream.indirect.scatter.add.f32 [tilespmem:s17], [sflag:$0x6], $0x1, s13, s15, $0xb8;
	[tilespmem:$0x2EF8] =	vst v63  }
0x56: {  	_ =	swait.ge [sflag:s24], $0x80  }
0x57: {  	[sflag:s24] =	ssyncset.done $0x0  }
0x58: {  	s13 =	sadd.s32 $0x1500, s1;
	[sflag:s24] =	ssyncadd.s32 $0xFFFFFF80  }
0x59: {  	[spmem:s2] =	stream.indirect.scatter.add.f32 [tilespmem:s19], [sflag:$0x7], $0x1, s13, s15, $0xb8;
	[tilespmem:$0x2EF8] =	vst v63  }
0x5a: {  	_ =	swait.ge [sflag:s25], $0x80  }
0x5b: {  	[sflag:s25] =	ssyncset.done $0x0  }
0x5c: {  	s13 =	sadd.s32 $0x1580, s1;
	[sflag:s25] =	ssyncadd.s32 $0xFFFFFF80  }
0x5d: {  	[spmem:s2] =	stream.indirect.scatter.add.f32 [tilespmem:s21], [sflag:$0x8], $0x1, s13, s15, $0xb8;
	[tilespmem:$0x2EF8] =	vst v63  }
0x5e: {  	_ =	swait.ge [sflag:s26], $0x80  }
0x5f: {  	[sflag:s26] =	ssyncset.done $0x0  }
0x60: {  	s13 =	sadd.s32 $0x200, s1;
	[sflag:s26] =	ssyncadd.s32 $0xFFFFFF80  }
0x61: {  	[tilespmem:s16], [sflag:$0x1] =	stream.indirect.gather [spmem:s3], $0x1, s13, s15, $0xb8;
	[tilespmem:$0x2EF8] =	vst v63  }
0x62: {  	_ =	swait.ge [sflag:s28], $0x80  }
0x63: {  	[sflag:s28] =	ssyncset.done $0x0  }
0x64: {  	s13 =	sadd.s32 $0x280, s1;
	[sflag:s28] =	ssyncadd.s32 $0xFFFFFF80  }
0x65: {  	[tilespmem:s17], [sflag:$0x2] =	stream.indirect.gather [spmem:s3], $0x1, s13, s15, $0xb8;
	[tilespmem:$0x2EF8] =	vst v63  }
0x66: {  	_ =	swait.ge [sflag:s29], $0x80  }
0x67: {  	[sflag:s29] =	ssyncset.done $0x0  }
.Ltmp0:
0x68: {  	s13 =	sadd.s32 $0x300, s1;
	[sflag:s29] =	ssyncadd.s32 $0xFFFFFF80;
	(pc) =	sbr.rel @p1 .LBB2_2-.Ltmp0, $4  }
0x69: {  	[tilespmem:s19], [sflag:$0x3] =	stream.indirect.gather [spmem:s3], $0x1, s13, s15, $0xb8;
	[tilespmem:$0x2EF8] =	vst v63  }
0x6a: {  	_ =	swait.ge [sflag:s30], $0x80  }
0x6b: {  	[sflag:s30] =	ssyncset.done $0x0  }
0x6c: {  	s1 =	sadd.s32 $0x380, s1;
	[sflag:s30] =	ssyncadd.s32 $0xFFFFFF80  }
0x6d: {  	[tilespmem:s21], [sflag:$0x4] =	stream.indirect.gather [spmem:s3], $0x1, s1, s15, $0xb8;
	[tilespmem:$0x2EF8] =	vst v63  }
0x6e: {  	_ =	swait.ge [sflag:s22], $0x80  }
0x6f: {  	[sflag:s22] =	ssyncset.done $0x0  }
0x70: {  	s0 =	simm.s32 $0x2600;
	[sflag:s22] =	ssyncadd.s32 $0xFFFFFF80  }
0x71: {  	[spmem:s2] =	stream.indirect.scatter.add.f32 [tilespmem:s16], [sflag:$0x5], $0x1, s0, s15, $0xb8;
	[tilespmem:$0x2EF8] =	vst v63  }
0x72: {  	_ =	swait.ge [sflag:s23], $0x80  }
0x73: {  	[sflag:s23] =	ssyncset.done $0x0  }
0x74: {  	s13 =	simm.s32 $0x2680;
	[sflag:s23] =	ssyncadd.s32 $0xFFFFFF80  }
0x75: {  	[spmem:s2] =	stream.indirect.scatter.add.f32 [tilespmem:s17], [sflag:$0x6], $0x1, s13, s15, $0xb8;
	[tilespmem:$0x2EF8] =	vst v63  }
0x76: {  	_ =	swait.ge [sflag:s24], $0x80  }
0x77: {  	[sflag:s24] =	ssyncset.done $0x0  }
0x78: {  	s1 =	simm.s32 $0x2700;
	[sflag:s24] =	ssyncadd.s32 $0xFFFFFF80  }
0x79: {  	[spmem:s2] =	stream.indirect.scatter.add.f32 [tilespmem:s19], [sflag:$0x7], $0x1, s1, s15, $0xb8;
	[tilespmem:$0x2EF8] =	vst v63  }
0x7a: {  	_ =	swait.ge [sflag:s25], $0x80  }
0x7b: {  	[sflag:s25] =	ssyncset.done $0x0  }
0x7c: {  	s13 =	simm.s32 $0x2780;
	[sflag:s25] =	ssyncadd.s32 $0xFFFFFF80  }
0x7d: {  	[spmem:s2] =	stream.indirect.scatter.add.f32 [tilespmem:s21], [sflag:$0x8], $0x1, s13, s15, $0xb8;
	[tilespmem:$0x2EF8] =	vst v63  }
0x7e: {  	_ =	swait.ge [sflag:s26], $0x80  }
0x7f: {  	[sflag:s26] =	ssyncset.done $0x0  }
0x80: {  	[sflag:s26] =	ssyncadd.s32 $0xFFFFFF80  }
0x81: {  	_ =	swait.ge [sflag:s28], $0x80  }
0x82: {  	[sflag:s28] =	ssyncset.done $0x0  }
0x83: {  	[sflag:s28] =	ssyncadd.s32 $0xFFFFFF80  }
0x84: {  	_ =	swait.ge [sflag:s29], $0x80  }
0x85: {  	[sflag:s29] =	ssyncset.done $0x0  }
0x86: {  	[sflag:s29] =	ssyncadd.s32 $0xFFFFFF80  }
0x87: {  	_ =	swait.ge [sflag:s30], $0x80  }
0x88: {  	s31 =	sadd.s32 $0x1, s31;
	[sflag:s30] =	ssyncset.done $0x0  }
0x89: {  	p1 =	sne.s32 s31, s10;
	[sflag:s30] =	ssyncadd.s32 $0xFFFFFF80  }
.Ltmp1:
0x8a: {  	[bflag:$0x0] =	sbarrier.arrive $0xFFFF;
	(pc) =	sbr.rel @p1 .LBB2_1-.Ltmp1, $4  }
0x8b: {  	[hbm:s9@s18], [sflag:s6] =	dma.strided [spmem:s11@s20], $0x50, s22, $0x10   }
0x8c: {  	_ =	swait.ge [sflag:s12], $0x50  }
0x8d: {  	[sflag:s12] =	ssyncset.done $0x0  }
0x8e: {  	[sflag:s12] =	ssyncadd.s32 $0xFFFFFFB0  }
0x8f: {  	_ =	sfence.sel $0x180000  }
0x90: {  	[bflag:$0x0] =	sbarrier.arrive $0xFFFF  }
0x91: {  	_ =	strace $0x9000004A  }
0x92: {  	[bflag:$0x2] =	sbarrier.arrive $0xFFFF  }
0x93: {  	s0 =	rddreg [dreg:$0x4]  }
0x94: {  	s0 =	sadd.s32 @!p0 $0x100000, s0  }
0x95: {  	[sflag:s0] =	ssyncadd.tile.s32 @!p0 $0x1;
	_ =	shalt  }
.Lfunc_end2:
_tile_overlayer_lowered:
.L_overlay_start_2:
0x96: {  	(tag) =	ssettag $0x2  }
0x97: {  	s0 =	rddreg [dreg:$0x0];
	s2 =	stileid.u32  }
0x98: {  	s1 =	rddreg [dreg:$0x1];
	p0 =	sne.s32 s2, $0x0  }
0x99: {  	s3 =	rddreg [dreg:$0x2];
	[bflag:$0x3] =	sbarrier.arrive $0xFFFF;
	s2 =	simm.s32 @!p0 $0x1C09  }
0x9a: {  	[timem:s3], [sflag:s2] =	dma.local @!p0 [hbm:s0], s1  }
0x9b: {  	s0 =	simm.s32 @!p0 $0x9  }
0x9c: {  	_ =	swait.ge @!p0 [sflag:s0], s1  }
0x9d: {  	s1 =	ssub.s32 @!p0 $0x0, s1;
	[sflag:s0] =	ssyncset.done @!p0 $0x0  }
0x9e: {  	[sflag:s0] =	ssyncadd.s32 @!p0 s1  }
0x9f: {  	[bflag:$0x3] =	sbarrier.arrive $0xFFFF  }
0xa0: {  	_ =	shalt  }

</sc_bundles>
